<compile_context>
chip_gen: v7x
topology: tpu7x:2x2x1
jax: 0.10.2.dev20260603
libtpu: 0.0.44.dev20260713+nightly
codegen_flags: <defaults>
</compile_context>

<pallas_src>
import dataclasses
import functools

import jax
import jax.numpy as jnp
from jax import lax
from jax.experimental import pallas as pl
from jax.experimental.pallas import tpu as pltpu
from jax.experimental.pallas import tpu_sc as plsc

N = 10000
E = 320000
F_IN = 128
H = 128
C = 40

NC = 2
NS = 16
NW = NC * NS
LANES = 16

K = 128
CHUNKS = E // K
CHUNKS_PER_W = (CHUNKS + NW - 1) // NW
ROWS_PER_SUB = 624
ROWS_TAIL = N - NS * ROWS_PER_SUB

ROW_BLK = 2000


def _spmm_sc(support, src, dst, ew):
    mesh = plsc.VectorSubcoreMesh(
        core_axis_name="c", subcore_axis_name="s", num_cores=NC, num_subcores=NS
    )
    cp = pltpu.CompilerParams()
    if "needs_layout_passes" in pltpu.CompilerParams.__dataclass_fields__:
        cp = dataclasses.replace(cp, needs_layout_passes=False)

    @functools.partial(
        pl.kernel,
        compiler_params=cp,
        out_type=jax.ShapeDtypeStruct((NC, N, H), jnp.float32),
        mesh=mesh,
        scratch_types=[
            pltpu.VMEM((K, H), jnp.float32),
            pltpu.VMEM((K,), jnp.int32),
            pltpu.VMEM((K,), jnp.int32),
            pltpu.VMEM((K,), jnp.float32),
            pltpu.VMEM_SHARED((N, H), jnp.float32),
            pltpu.SemaphoreType.DMA,
        ],
    )
    def spmm(sup_hbm, src_hbm, dst_hbm, ew_hbm, out_hbm, rows_v, si_v, di_v,
             ew_v, acc, sem):
        cid = lax.axis_index("c")
        sid = lax.axis_index("s")
        wid = sid * NC + cid

        @pl.loop(0, K)
        def _(r):
            for f in range(H // LANES):
                rows_v[r, pl.ds(f * LANES, LANES)] = jnp.zeros(
                    (LANES,), jnp.float32)

        base = sid * ROWS_PER_SUB
        nfull = ROWS_PER_SUB // K
        rem = ROWS_PER_SUB - nfull * K
        for blk in range(nfull):
            pltpu.sync_copy(rows_v, acc.at[pl.ds(base + blk * K, K)])
        if rem:
            pltpu.sync_copy(rows_v.at[pl.ds(0, rem)],
                            acc.at[pl.ds(base + nfull * K, rem)])

        @pl.when(sid == NS - 1)
        def _():
            pltpu.sync_copy(rows_v.at[pl.ds(0, ROWS_TAIL)],
                            acc.at[pl.ds(NS * ROWS_PER_SUB, ROWS_TAIL)])

        plsc.subcore_barrier()

        @pl.loop(0, CHUNKS_PER_W)
        def _(i):
            chunk = wid + i * NW

            @pl.when(chunk < CHUNKS)
            def _():
                eb = chunk * K
                pltpu.sync_copy(src_hbm.at[pl.ds(eb, K)], si_v)
                pltpu.sync_copy(dst_hbm.at[pl.ds(eb, K)], di_v)
                pltpu.sync_copy(ew_hbm.at[pl.ds(eb, K)], ew_v)
                pltpu.async_copy(sup_hbm.at[si_v], rows_v, sem).wait()

                @pl.loop(0, K)
                def _(e):
                    widx = jnp.full((LANES,), e, jnp.int32)
                    wv = plsc.load_gather(ew_v, [widx])
                    for f in range(H // LANES):
                        sl = pl.ds(f * LANES, LANES)
                        rows_v[e, sl] = rows_v[e, sl] * wv

                pltpu.sync_copy(rows_v, acc.at[di_v], add=True)

        plsc.subcore_barrier()
        pltpu.sync_copy(acc.at[pl.ds(base, ROWS_PER_SUB)],
                        out_hbm.at[cid, pl.ds(base, ROWS_PER_SUB)])

        @pl.when(sid == NS - 1)
        def _():
            pltpu.sync_copy(acc.at[pl.ds(NS * ROWS_PER_SUB, ROWS_TAIL)],
                            out_hbm.at[cid, pl.ds(NS * ROWS_PER_SUB,
                                                  ROWS_TAIL)])

    return spmm(support, src, dst, ew)


def _mm_first(x, W):
    def body(x_ref, w_ref, o_ref):
        o_ref[...] = jnp.dot(x_ref[...], w_ref[...],
                             preferred_element_type=jnp.float32)

    return pl.pallas_call(
        body,
        grid=(N // ROW_BLK,),
        in_specs=[
            pl.BlockSpec((ROW_BLK, F_IN), lambda i: (i, 0)),
            pl.BlockSpec((F_IN, H), lambda i: (0, 0)),
        ],
        out_specs=pl.BlockSpec((ROW_BLK, H), lambda i: (i, 0)),
        out_shape=jax.ShapeDtypeStruct((N, H), jnp.float32),
    )(x, W)


def _mm_mid(parts, b, W):
    def body(p_ref, b_ref, w_ref, o_ref):
        h = jnp.maximum(p_ref[0] + p_ref[1] + b_ref[...], 0.0)
        o_ref[...] = jnp.dot(h, w_ref[...],
                             preferred_element_type=jnp.float32)

    return pl.pallas_call(
        body,
        grid=(N // ROW_BLK,),
        in_specs=[
            pl.BlockSpec((NC, ROW_BLK, H), lambda i: (0, i, 0)),
            pl.BlockSpec((1, H), lambda i: (0, 0)),
            pl.BlockSpec((H, H), lambda i: (0, 0)),
        ],
        out_specs=pl.BlockSpec((ROW_BLK, H), lambda i: (i, 0)),
        out_shape=jax.ShapeDtypeStruct((N, H), jnp.float32),
    )(parts, b, W)


def _mm_out(parts, b, W, b_out):
    def body(p_ref, b_ref, w_ref, bo_ref, o_ref):
        h = jnp.maximum(p_ref[0] + p_ref[1] + b_ref[...], 0.0)
        logits = jnp.dot(h, w_ref[...],
                         preferred_element_type=jnp.float32) + bo_ref[...]
        m = jnp.max(logits, axis=1, keepdims=True)
        shifted = logits - m
        lse = jnp.log(jnp.sum(jnp.exp(shifted), axis=1, keepdims=True))
        o_ref[...] = shifted - lse

    return pl.pallas_call(
        body,
        grid=(N // ROW_BLK,),
        in_specs=[
            pl.BlockSpec((NC, ROW_BLK, H), lambda i: (0, i, 0)),
            pl.BlockSpec((1, H), lambda i: (0, 0)),
            pl.BlockSpec((H, C), lambda i: (0, 0)),
            pl.BlockSpec((1, C), lambda i: (0, 0)),
        ],
        out_specs=pl.BlockSpec((ROW_BLK, C), lambda i: (i, 0)),
        out_shape=jax.ShapeDtypeStruct((N, C), jnp.float32),
    )(parts, b, W, b_out)


def kernel(x, edge_index, edge_weight, W1, b1, W2, b2, W_out, b_out):
    src = edge_index[0]
    dst = edge_index[1]
    b1r = b1.reshape(1, H)
    b2r = b2.reshape(1, H)
    bor = b_out.reshape(1, C)

    support1 = _mm_first(x, W1)
    parts1 = _spmm_sc(support1, src, dst, edge_weight)
    support2 = _mm_mid(parts1, b1r, W2)
    parts2 = _spmm_sc(support2, src, dst, edge_weight)
    return _mm_out(parts2, b2r, W_out, bor)

# --- scband reference (transcript-rebuilt; emitter-appended) ---
"""Pipeline reference for scband-gcn-3066606649548 (READ-ONLY COPY).

The authoritative reference and input builder live on the scoring server;
editing this copy changes nothing except your own understanding.
"""

import jax, jax.numpy as jnp
import numpy as np

N = 10000
E = 320000
F_IN = 128
H = 128
C = 40


def setup_inputs(seed: int = 0) -> dict:
    key = jax.random.key(seed)
    ks = jax.random.split(key, 10)
    x = jax.random.normal(ks[0], (N, F_IN), dtype=jnp.float32)
    edge_index = jax.random.randint(ks[1], (2, E), 0, N, dtype=jnp.int32)
    edge_weight = jax.random.uniform(ks[2], (E,), dtype=jnp.float32)
    W1 = jax.random.normal(ks[3], (F_IN, H), dtype=jnp.float32) * 0.05
    b1 = jnp.zeros((H,), dtype=jnp.float32)
    W2 = jax.random.normal(ks[4], (H, H), dtype=jnp.float32) * 0.05
    b2 = jnp.zeros((H,), dtype=jnp.float32)
    W_out = jax.random.normal(ks[5], (H, C), dtype=jnp.float32) * 0.05
    b_out = jnp.zeros((C,), dtype=jnp.float32)
    return {"x": x, "edge_index": edge_index, "edge_weight": edge_weight,
            "W1": W1, "b1": b1, "W2": W2, "b2": b2,
            "W_out": W_out, "b_out": b_out}


def reference(x, edge_index, edge_weight, W1, b1, W2, b2, W_out, b_out):
    # GraphConvolution: out = adj @ (x @ W) + b, where adj is a sparse
    # normalized adjacency given as (edge_index, edge_weight).
    # SpMM realized as gather (source rows) + scatter-add (segment_sum on dst).
    src = edge_index[0]
    dst = edge_index[1]

    def gcn_layer(h, W, b):
        support = h @ W
        msgs = jnp.take(support, src, axis=0) * edge_weight[:, None]
        agg = jax.ops.segment_sum(msgs, dst, num_segments=N)
        return agg + b

    # gc1 -> relu ; dropout is identity in eval mode
    h = jax.nn.relu(gcn_layer(x, W1, b1))
    # gc2 -> relu (same adjacency used for adj[0] and adj[1])
    h = jax.nn.relu(gcn_layer(h, W2, b2))
    # output linear + log_softmax
    out = h @ W_out + b_out
    return jax.nn.log_softmax(out, axis=1)

if __name__ == "__main__":
    import jax
    _d = setup_inputs()
    print(jax.jit(kernel)(*tuple(_d.values())))

</pallas_src>

<mosaic_0001>
#map = affine_map<(d0, d1) -> (0, 0)>
#map1 = affine_map<(d0, d1) -> (0)>
#map2 = affine_map<(d0, d1) -> (0, 0, 0)>
module attributes {stable_mosaic.version = 14 : i64} {
  func.func @spmm(%arg0: i32, %arg1: i32, %arg2: memref<10000x128xf32, #tpu.memory_space<hbm>>, %arg3: memref<320000xi32, #tpu.memory_space<hbm>>, %arg4: memref<320000xi32, #tpu.memory_space<hbm>>, %arg5: memref<320000xf32, #tpu.memory_space<hbm>>, %arg6: memref<2x10000x128xf32, #tpu.memory_space<hbm>>, %arg7: memref<128x128xf32, #tpu.memory_space<vmem>>, %arg8: memref<128xi32, #tpu.memory_space<vmem>>, %arg9: memref<128xi32, #tpu.memory_space<vmem>>, %arg10: memref<128xf32, #tpu.memory_space<vmem>>, %arg11: memref<10000x128xf32, #tpu.memory_space<vmem_shared>>, %arg12: memref<!tpu.dma_semaphore, #tpu.memory_space<semaphore_mem>>) attributes {dimension_semantics = [#tpu.dimension_semantics<core_parallel>, #tpu.dimension_semantics<subcore_parallel>], iteration_bounds = array<i64: 2, 16>, scalar_prefetch = 0 : i64, scratch_operands = 6 : i64, tpu.core_type = #tpu.core_type<sc_vector_subcore>, window_params = [{transform_indices = #map}, {transform_indices = #map1}, {transform_indices = #map1}, {transform_indices = #map1}, {transform_indices = #map2}]} {
    %mul3A = arith.constant 2 : i32
    %mul3A_0 = arith.muli %arg1, %mul3A : i32
    %add3A = arith.addi %mul3A_0, %arg0 : i32
    %scan3A = arith.constant 0 : i32
    %scan3A_1 = arith.constant 128 : i32
    %scan3A_2 = arith.addi %scan3A, %scan3A_1 : i32
    %scan3A_3 = arith.constant 1 : i32
    scf.for %scan3A_30 = %scan3A to %scan3A_2 step %scan3A_3  : i32 {
      %mul3A_31 = arith.constant 1 : i32
      %mul3A_32 = arith.muli %scan3A_30, %mul3A_31 : i32
      %add3A_33 = arith.constant 0 : i32
      %add3A_34 = arith.addi %add3A_33, %mul3A_32 : i32
      %broadcast_in_dim3A = arith.constant 0.000000e+00 : f32
      %broadcast_in_dim3A_35 = vector.broadcast %broadcast_in_dim3A : f32 to vector<16xf32>
      %swap3A = arith.index_cast %add3A_34 : i32 to index
      %swap3A_36 = arith.constant 0 : index
      %swap3A_37 = tpu.vector_load %arg7[%swap3A, %swap3A_36] {strides = array<i32>} : memref<128x128xf32, #tpu.memory_space<vmem>>, vector<16xf32>,
      tpu.vector_store %arg7[%swap3A, %swap3A_36], %broadcast_in_dim3A_35 {strides = array<i32>} : memref<128x128xf32, #tpu.memory_space<vmem>>, vector<16xf32>,
      %broadcast_in_dim3A_38 = arith.constant 0.000000e+00 : f32
      %broadcast_in_dim3A_39 = vector.broadcast %broadcast_in_dim3A_38 : f32 to vector<16xf32>
      %swap3A_40 = arith.index_cast %add3A_34 : i32 to index
      %swap3A_41 = arith.constant 16 : index
      %swap3A_42 = tpu.vector_load %arg7[%swap3A_40, %swap3A_41] {strides = array<i32>} : memref<128x128xf32, #tpu.memory_space<vmem>>, vector<16xf32>,
      tpu.vector_store %arg7[%swap3A_40, %swap3A_41], %broadcast_in_dim3A_39 {strides = array<i32>} : memref<128x128xf32, #tpu.memory_space<vmem>>, vector<16xf32>,
      %broadcast_in_dim3A_43 = arith.constant 0.000000e+00 : f32
      %broadcast_in_dim3A_44 = vector.broadcast %broadcast_in_dim3A_43 : f32 to vector<16xf32>
      %swap3A_45 = arith.index_cast %add3A_34 : i32 to index
      %swap3A_46 = arith.constant 32 : index
      %swap3A_47 = tpu.vector_load %arg7[%swap3A_45, %swap3A_46] {strides = array<i32>} : memref<128x128xf32, #tpu.memory_space<vmem>>, vector<16xf32>,
      tpu.vector_store %arg7[%swap3A_45, %swap3A_46], %broadcast_in_dim3A_44 {strides = array<i32>} : memref<128x128xf32, #tpu.memory_space<vmem>>, vector<16xf32>,
      %broadcast_in_dim3A_48 = arith.constant 0.000000e+00 : f32
      %broadcast_in_dim3A_49 = vector.broadcast %broadcast_in_dim3A_48 : f32 to vector<16xf32>
      %swap3A_50 = arith.index_cast %add3A_34 : i32 to index
      %swap3A_51 = arith.constant 48 : index
      %swap3A_52 = tpu.vector_load %arg7[%swap3A_50, %swap3A_51] {strides = array<i32>} : memref<128x128xf32, #tpu.memory_space<vmem>>, vector<16xf32>,
      tpu.vector_store %arg7[%swap3A_50, %swap3A_51], %broadcast_in_dim3A_49 {strides = array<i32>} : memref<128x128xf32, #tpu.memory_space<vmem>>, vector<16xf32>,
      %broadcast_in_dim3A_53 = arith.constant 0.000000e+00 : f32
      %broadcast_in_dim3A_54 = vector.broadcast %broadcast_in_dim3A_53 : f32 to vector<16xf32>
      %swap3A_55 = arith.index_cast %add3A_34 : i32 to index
      %swap3A_56 = arith.constant 64 : index
      %swap3A_57 = tpu.vector_load %arg7[%swap3A_55, %swap3A_56] {strides = array<i32>} : memref<128x128xf32, #tpu.memory_space<vmem>>, vector<16xf32>,
      tpu.vector_store %arg7[%swap3A_55, %swap3A_56], %broadcast_in_dim3A_54 {strides = array<i32>} : memref<128x128xf32, #tpu.memory_space<vmem>>, vector<16xf32>,
      %broadcast_in_dim3A_58 = arith.constant 0.000000e+00 : f32
      %broadcast_in_dim3A_59 = vector.broadcast %broadcast_in_dim3A_58 : f32 to vector<16xf32>
      %swap3A_60 = arith.index_cast %add3A_34 : i32 to index
      %swap3A_61 = arith.constant 80 : index
      %swap3A_62 = tpu.vector_load %arg7[%swap3A_60, %swap3A_61] {strides = array<i32>} : memref<128x128xf32, #tpu.memory_space<vmem>>, vector<16xf32>,
      tpu.vector_store %arg7[%swap3A_60, %swap3A_61], %broadcast_in_dim3A_59 {strides = array<i32>} : memref<128x128xf32, #tpu.memory_space<vmem>>, vector<16xf32>,
      %broadcast_in_dim3A_63 = arith.constant 0.000000e+00 : f32
      %broadcast_in_dim3A_64 = vector.broadcast %broadcast_in_dim3A_63 : f32 to vector<16xf32>
      %swap3A_65 = arith.index_cast %add3A_34 : i32 to index
      %swap3A_66 = arith.constant 96 : index
      %swap3A_67 = tpu.vector_load %arg7[%swap3A_65, %swap3A_66] {strides = array<i32>} : memref<128x128xf32, #tpu.memory_space<vmem>>, vector<16xf32>,
      tpu.vector_store %arg7[%swap3A_65, %swap3A_66], %broadcast_in_dim3A_64 {strides = array<i32>} : memref<128x128xf32, #tpu.memory_space<vmem>>, vector<16xf32>,
      %broadcast_in_dim3A_68 = arith.constant 0.000000e+00 : f32
      %broadcast_in_dim3A_69 = vector.broadcast %broadcast_in_dim3A_68 : f32 to vector<16xf32>
      %swap3A_70 = arith.index_cast %add3A_34 : i32 to index
      %swap3A_71 = arith.constant 112 : index
      %swap3A_72 = tpu.vector_load %arg7[%swap3A_70, %swap3A_71] {strides = array<i32>} : memref<128x128xf32, #tpu.memory_space<vmem>>, vector<16xf32>,
      tpu.vector_store %arg7[%swap3A_70, %swap3A_71], %broadcast_in_dim3A_69 {strides = array<i32>} : memref<128x128xf32, #tpu.memory_space<vmem>>, vector<16xf32>,
    }
    %scan3A_4 = arith.constant 128 : i32
    %mul3A_5 = arith.constant 624 : i32
    %mul3A_6 = arith.muli %arg1, %mul3A_5 : i32
    %add3A_7 = arith.constant 0 : i32
    %add3A_8 = arith.addi %mul3A_6, %add3A_7 : i32
    "tpu.region"() ({
      %run_scoped3A = tpu.sem_alloc : memref<!tpu.dma_semaphore, #tpu.memory_space<semaphore_mem>>
      %dma_start3A = arith.constant 0 : i32
      %dma_start3A_30 = tpu.memref_slice %arg11[%add3A_8, %dma_start3A] : memref<10000x128xf32, #tpu.memory_space<vmem_shared>> -> memref<128x128xf32, #tpu.memory_space<vmem_shared>>
      %dma_start3A_31 = arith.constant 0 : i32
      %dma_start3A_32 = tpu.memref_slice %arg11[%add3A_8, %dma_start3A_31] : memref<10000x128xf32, #tpu.memory_space<vmem_shared>> -> memref<128x128xf32, #tpu.memory_space<vmem_shared>>
      tpu.enqueue_dma source(%arg7 : memref<128x128xf32, #tpu.memory_space<vmem>>) target(%dma_start3A_32 : memref<128x128xf32, #tpu.memory_space<vmem_shared>>) target_semaphore(%run_scoped3A : memref<!tpu.dma_semaphore, #tpu.memory_space<semaphore_mem>>)
      %dma_wait3A = arith.constant 0 : i32
      %dma_wait3A_33 = tpu.memref_slice %arg11[%add3A_8, %dma_wait3A] : memref<10000x128xf32, #tpu.memory_space<vmem_shared>> -> memref<128x128xf32, #tpu.memory_space<vmem_shared>>
      %dma_wait3A_34 = arith.constant 0 : i32
      %dma_wait3A_35 = tpu.memref_slice %arg11[%add3A_8, %dma_wait3A_34] : memref<10000x128xf32, #tpu.memory_space<vmem_shared>> -> memref<128x128xf32, #tpu.memory_space<vmem_shared>>
      tpu.wait_dma2 semaphore(%run_scoped3A : memref<!tpu.dma_semaphore, #tpu.memory_space<semaphore_mem>>) src(%arg7 : memref<128x128xf32, #tpu.memory_space<vmem>>) dst(%dma_wait3A_35 : memref<128x128xf32, #tpu.memory_space<vmem_shared>>)
      tpu.yield
    }) : () -> ()
    %add3A_9 = arith.constant 128 : i32
    %add3A_10 = arith.addi %mul3A_6, %add3A_9 : i32
    "tpu.region"() ({
      %run_scoped3A = tpu.sem_alloc : memref<!tpu.dma_semaphore, #tpu.memory_space<semaphore_mem>>
      %dma_start3A = arith.constant 0 : i32
      %dma_start3A_30 = tpu.memref_slice %arg11[%add3A_10, %dma_start3A] : memref<10000x128xf32, #tpu.memory_space<vmem_shared>> -> memref<128x128xf32, #tpu.memory_space<vmem_shared>>
      %dma_start3A_31 = arith.constant 0 : i32
      %dma_start3A_32 = tpu.memref_slice %arg11[%add3A_10, %dma_start3A_31] : memref<10000x128xf32, #tpu.memory_space<vmem_shared>> -> memref<128x128xf32, #tpu.memory_space<vmem_shared>>
      tpu.enqueue_dma source(%arg7 : memref<128x128xf32, #tpu.memory_space<vmem>>) target(%dma_start3A_32 : memref<128x128xf32, #tpu.memory_space<vmem_shared>>) target_semaphore(%run_scoped3A : memref<!tpu.dma_semaphore, #tpu.memory_space<semaphore_mem>>)
      %dma_wait3A = arith.constant 0 : i32
      %dma_wait3A_33 = tpu.memref_slice %arg11[%add3A_10, %dma_wait3A] : memref<10000x128xf32, #tpu.memory_space<vmem_shared>> -> memref<128x128xf32, #tpu.memory_space<vmem_shared>>
      %dma_wait3A_34 = arith.constant 0 : i32
      %dma_wait3A_35 = tpu.memref_slice %arg11[%add3A_10, %dma_wait3A_34] : memref<10000x128xf32, #tpu.memory_space<vmem_shared>> -> memref<128x128xf32, #tpu.memory_space<vmem_shared>>
      tpu.wait_dma2 semaphore(%run_scoped3A : memref<!tpu.dma_semaphore, #tpu.memory_space<semaphore_mem>>) src(%arg7 : memref<128x128xf32, #tpu.memory_space<vmem>>) dst(%dma_wait3A_35 : memref<128x128xf32, #tpu.memory_space<vmem_shared>>)
      tpu.yield
    }) : () -> ()
    %add3A_11 = arith.constant 256 : i32
    %add3A_12 = arith.addi %mul3A_6, %add3A_11 : i32
    "tpu.region"() ({
      %run_scoped3A = tpu.sem_alloc : memref<!tpu.dma_semaphore, #tpu.memory_space<semaphore_mem>>
      %dma_start3A = arith.constant 0 : i32
      %dma_start3A_30 = tpu.memref_slice %arg11[%add3A_12, %dma_start3A] : memref<10000x128xf32, #tpu.memory_space<vmem_shared>> -> memref<128x128xf32, #tpu.memory_space<vmem_shared>>
      %dma_start3A_31 = arith.constant 0 : i32
      %dma_start3A_32 = tpu.memref_slice %arg11[%add3A_12, %dma_start3A_31] : memref<10000x128xf32, #tpu.memory_space<vmem_shared>> -> memref<128x128xf32, #tpu.memory_space<vmem_shared>>
      tpu.enqueue_dma source(%arg7 : memref<128x128xf32, #tpu.memory_space<vmem>>) target(%dma_start3A_32 : memref<128x128xf32, #tpu.memory_space<vmem_shared>>) target_semaphore(%run_scoped3A : memref<!tpu.dma_semaphore, #tpu.memory_space<semaphore_mem>>)
      %dma_wait3A = arith.constant 0 : i32
      %dma_wait3A_33 = tpu.memref_slice %arg11[%add3A_12, %dma_wait3A] : memref<10000x128xf32, #tpu.memory_space<vmem_shared>> -> memref<128x128xf32, #tpu.memory_space<vmem_shared>>
      %dma_wait3A_34 = arith.constant 0 : i32
      %dma_wait3A_35 = tpu.memref_slice %arg11[%add3A_12, %dma_wait3A_34] : memref<10000x128xf32, #tpu.memory_space<vmem_shared>> -> memref<128x128xf32, #tpu.memory_space<vmem_shared>>
      tpu.wait_dma2 semaphore(%run_scoped3A : memref<!tpu.dma_semaphore, #tpu.memory_space<semaphore_mem>>) src(%arg7 : memref<128x128xf32, #tpu.memory_space<vmem>>) dst(%dma_wait3A_35 : memref<128x128xf32, #tpu.memory_space<vmem_shared>>)
      tpu.yield
    }) : () -> ()
    %add3A_13 = arith.constant 384 : i32
    %add3A_14 = arith.addi %mul3A_6, %add3A_13 : i32
    "tpu.region"() ({
      %run_scoped3A = tpu.sem_alloc : memref<!tpu.dma_semaphore, #tpu.memory_space<semaphore_mem>>
      %dma_start3A = arith.constant 0 : i32
      %dma_start3A_30 = tpu.memref_slice %arg11[%add3A_14, %dma_start3A] : memref<10000x128xf32, #tpu.memory_space<vmem_shared>> -> memref<128x128xf32, #tpu.memory_space<vmem_shared>>
      %dma_start3A_31 = arith.constant 0 : i32
      %dma_start3A_32 = tpu.memref_slice %arg11[%add3A_14, %dma_start3A_31] : memref<10000x128xf32, #tpu.memory_space<vmem_shared>> -> memref<128x128xf32, #tpu.memory_space<vmem_shared>>
      tpu.enqueue_dma source(%arg7 : memref<128x128xf32, #tpu.memory_space<vmem>>) target(%dma_start3A_32 : memref<128x128xf32, #tpu.memory_space<vmem_shared>>) target_semaphore(%run_scoped3A : memref<!tpu.dma_semaphore, #tpu.memory_space<semaphore_mem>>)
      %dma_wait3A = arith.constant 0 : i32
      %dma_wait3A_33 = tpu.memref_slice %arg11[%add3A_14, %dma_wait3A] : memref<10000x128xf32, #tpu.memory_space<vmem_shared>> -> memref<128x128xf32, #tpu.memory_space<vmem_shared>>
      %dma_wait3A_34 = arith.constant 0 : i32
      %dma_wait3A_35 = tpu.memref_slice %arg11[%add3A_14, %dma_wait3A_34] : memref<10000x128xf32, #tpu.memory_space<vmem_shared>> -> memref<128x128xf32, #tpu.memory_space<vmem_shared>>
      tpu.wait_dma2 semaphore(%run_scoped3A : memref<!tpu.dma_semaphore, #tpu.memory_space<semaphore_mem>>) src(%arg7 : memref<128x128xf32, #tpu.memory_space<vmem>>) dst(%dma_wait3A_35 : memref<128x128xf32, #tpu.memory_space<vmem_shared>>)
      tpu.yield
    }) : () -> ()
    %add3A_15 = arith.constant 512 : i32
    %add3A_16 = arith.addi %mul3A_6, %add3A_15 : i32
    "tpu.region"() ({
      %run_scoped3A = tpu.sem_alloc : memref<!tpu.dma_semaphore, #tpu.memory_space<semaphore_mem>>
      %dma_start3A = arith.constant 0 : i32
      %dma_start3A_30 = arith.constant 0 : i32
      %dma_start3A_31 = tpu.memref_slice %arg7[%dma_start3A, %dma_start3A_30] : memref<128x128xf32, #tpu.memory_space<vmem>> -> memref<112x128xf32, #tpu.memory_space<vmem>>
      %dma_start3A_32 = arith.constant 0 : i32
      %dma_start3A_33 = tpu.memref_slice %arg11[%add3A_16, %dma_start3A_32] : memref<10000x128xf32, #tpu.memory_space<vmem_shared>> -> memref<112x128xf32, #tpu.memory_space<vmem_shared>>
      %dma_start3A_34 = arith.constant 0 : i32
      %dma_start3A_35 = tpu.memref_slice %arg11[%add3A_16, %dma_start3A_34] : memref<10000x128xf32, #tpu.memory_space<vmem_shared>> -> memref<112x128xf32, #tpu.memory_space<vmem_shared>>
      %dma_start3A_36 = arith.constant 0 : i32
      %dma_start3A_37 = arith.constant 0 : i32
      %dma_start3A_38 = tpu.memref_slice %arg7[%dma_start3A_36, %dma_start3A_37] : memref<128x128xf32, #tpu.memory_space<vmem>> -> memref<112x128xf32, #tpu.memory_space<vmem>>
      tpu.enqueue_dma source(%dma_start3A_38 : memref<112x128xf32, #tpu.memory_space<vmem>>) target(%dma_start3A_35 : memref<112x128xf32, #tpu.memory_space<vmem_shared>>) target_semaphore(%run_scoped3A : memref<!tpu.dma_semaphore, #tpu.memory_space<semaphore_mem>>)
      %dma_wait3A = arith.constant 0 : i32
      %dma_wait3A_39 = arith.constant 0 : i32
      %dma_wait3A_40 = tpu.memref_slice %arg7[%dma_wait3A, %dma_wait3A_39] : memref<128x128xf32, #tpu.memory_space<vmem>> -> memref<112x128xf32, #tpu.memory_space<vmem>>
      %dma_wait3A_41 = arith.constant 0 : i32
      %dma_wait3A_42 = tpu.memref_slice %arg11[%add3A_16, %dma_wait3A_41] : memref<10000x128xf32, #tpu.memory_space<vmem_shared>> -> memref<112x128xf32, #tpu.memory_space<vmem_shared>>
      %dma_wait3A_43 = arith.constant 0 : i32
      %dma_wait3A_44 = tpu.memref_slice %arg11[%add3A_16, %dma_wait3A_43] : memref<10000x128xf32, #tpu.memory_space<vmem_shared>> -> memref<112x128xf32, #tpu.memory_space<vmem_shared>>
      %dma_wait3A_45 = arith.constant 0 : i32
      %dma_wait3A_46 = arith.constant 0 : i32
      %dma_wait3A_47 = tpu.memref_slice %arg7[%dma_wait3A_45, %dma_wait3A_46] : memref<128x128xf32, #tpu.memory_space<vmem>> -> memref<112x128xf32, #tpu.memory_space<vmem>>
      tpu.wait_dma2 semaphore(%run_scoped3A : memref<!tpu.dma_semaphore, #tpu.memory_space<semaphore_mem>>) src(%dma_wait3A_47 : memref<112x128xf32, #tpu.memory_space<vmem>>) dst(%dma_wait3A_44 : memref<112x128xf32, #tpu.memory_space<vmem_shared>>)
      tpu.yield
    }) : () -> ()
    %eq3A = arith.constant 15 : i32
    %eq3A_17 = arith.cmpi eq, %arg1, %eq3A : i32
    %convert_element_type3A = arith.extui %eq3A_17 : i1 to i32
    %cond3A = arith.constant 0 : i32
    %cond3A_18 = arith.cmpi ne, %convert_element_type3A, %cond3A : i32
    scf.if %cond3A_18 {
      "tpu.region"() ({
        %run_scoped3A = tpu.sem_alloc : memref<!tpu.dma_semaphore, #tpu.memory_space<semaphore_mem>>
        %dma_start3A = arith.constant 0 : i32
        %dma_start3A_30 = arith.constant 0 : i32
        %dma_start3A_31 = tpu.memref_slice %arg7[%dma_start3A, %dma_start3A_30] : memref<128x128xf32, #tpu.memory_space<vmem>> -> memref<16x128xf32, #tpu.memory_space<vmem>>
        %dma_start3A_32 = arith.constant 9984 : i32
        %dma_start3A_33 = arith.constant 0 : i32
        %dma_start3A_34 = tpu.memref_slice %arg11[%dma_start3A_32, %dma_start3A_33] : memref<10000x128xf32, #tpu.memory_space<vmem_shared>> -> memref<16x128xf32, #tpu.memory_space<vmem_shared>>
        %dma_start3A_35 = arith.constant 9984 : i32
        %dma_start3A_36 = arith.constant 0 : i32
        %dma_start3A_37 = tpu.memref_slice %arg11[%dma_start3A_35, %dma_start3A_36] : memref<10000x128xf32, #tpu.memory_space<vmem_shared>> -> memref<16x128xf32, #tpu.memory_space<vmem_shared>>
        %dma_start3A_38 = arith.constant 0 : i32
        %dma_start3A_39 = arith.constant 0 : i32
        %dma_start3A_40 = tpu.memref_slice %arg7[%dma_start3A_38, %dma_start3A_39] : memref<128x128xf32, #tpu.memory_space<vmem>> -> memref<16x128xf32, #tpu.memory_space<vmem>>
        tpu.enqueue_dma source(%dma_start3A_40 : memref<16x128xf32, #tpu.memory_space<vmem>>) target(%dma_start3A_37 : memref<16x128xf32, #tpu.memory_space<vmem_shared>>) target_semaphore(%run_scoped3A : memref<!tpu.dma_semaphore, #tpu.memory_space<semaphore_mem>>)
        %dma_wait3A = arith.constant 0 : i32
        %dma_wait3A_41 = arith.constant 0 : i32
        %dma_wait3A_42 = tpu.memref_slice %arg7[%dma_wait3A, %dma_wait3A_41] : memref<128x128xf32, #tpu.memory_space<vmem>> -> memref<16x128xf32, #tpu.memory_space<vmem>>
        %dma_wait3A_43 = arith.constant 9984 : i32
        %dma_wait3A_44 = arith.constant 0 : i32
        %dma_wait3A_45 = tpu.memref_slice %arg11[%dma_wait3A_43, %dma_wait3A_44] : memref<10000x128xf32, #tpu.memory_space<vmem_shared>> -> memref<16x128xf32, #tpu.memory_space<vmem_shared>>
        %dma_wait3A_46 = arith.constant 9984 : i32
        %dma_wait3A_47 = arith.constant 0 : i32
        %dma_wait3A_48 = tpu.memref_slice %arg11[%dma_wait3A_46, %dma_wait3A_47] : memref<10000x128xf32, #tpu.memory_space<vmem_shared>> -> memref<16x128xf32, #tpu.memory_space<vmem_shared>>
        %dma_wait3A_49 = arith.constant 0 : i32
        %dma_wait3A_50 = arith.constant 0 : i32
        %dma_wait3A_51 = tpu.memref_slice %arg7[%dma_wait3A_49, %dma_wait3A_50] : memref<128x128xf32, #tpu.memory_space<vmem>> -> memref<16x128xf32, #tpu.memory_space<vmem>>
        tpu.wait_dma2 semaphore(%run_scoped3A : memref<!tpu.dma_semaphore, #tpu.memory_space<semaphore_mem>>) src(%dma_wait3A_51 : memref<16x128xf32, #tpu.memory_space<vmem>>) dst(%dma_wait3A_48 : memref<16x128xf32, #tpu.memory_space<vmem_shared>>)
        tpu.yield
      }) : () -> ()
    } else {
    }
    %barrier3A = arith.constant 0 : index
    tpu.barrier barrier_id(%barrier3A)
    %scan3A_19 = arith.constant 0 : i32
    %scan3A_20 = arith.constant 79 : i32
    %scan3A_21 = arith.addi %scan3A_19, %scan3A_20 : i32
    %scan3A_22 = arith.constant 1 : i32
    scf.for %scan3A_30 = %scan3A_19 to %scan3A_21 step %scan3A_22  : i32 {
      %mul3A_31 = arith.constant 1 : i32
      %mul3A_32 = arith.muli %scan3A_30, %mul3A_31 : i32
      %add3A_33 = arith.constant 0 : i32
      %add3A_34 = arith.addi %add3A_33, %mul3A_32 : i32
      %mul3A_35 = arith.constant 32 : i32
      %mul3A_36 = arith.muli %add3A_34, %mul3A_35 : i32
      %add3A_37 = arith.addi %add3A, %mul3A_36 : i32
      %lt3A = arith.constant 2500 : i32
      %lt3A_38 = arith.cmpi slt, %add3A_37, %lt3A : i32
      %convert_element_type3A_39 = arith.extui %lt3A_38 : i1 to i32
      %cond3A_40 = arith.constant 0 : i32
      %cond3A_41 = arith.cmpi ne, %convert_element_type3A_39, %cond3A_40 : i32
      scf.if %cond3A_41 {
        %mul3A_42 = arith.constant 128 : i32
        %mul3A_43 = arith.muli %add3A_37, %mul3A_42 : i32
        "tpu.region"() ({
          %run_scoped3A = tpu.sem_alloc : memref<!tpu.dma_semaphore, #tpu.memory_space<semaphore_mem>>
          %dma_start3A_53 = tpu.memref_slice %arg3[%mul3A_43] : memref<320000xi32, #tpu.memory_space<hbm>> -> memref<128xi32, #tpu.memory_space<hbm>>
          %dma_start3A_54 = tpu.memref_slice %arg3[%mul3A_43] : memref<320000xi32, #tpu.memory_space<hbm>> -> memref<128xi32, #tpu.memory_space<hbm>>
          tpu.enqueue_dma source(%dma_start3A_54 : memref<128xi32, #tpu.memory_space<hbm>>) target(%arg8 : memref<128xi32, #tpu.memory_space<vmem>>) target_semaphore(%run_scoped3A : memref<!tpu.dma_semaphore, #tpu.memory_space<semaphore_mem>>)
          %dma_wait3A_55 = tpu.memref_slice %arg3[%mul3A_43] : memref<320000xi32, #tpu.memory_space<hbm>> -> memref<128xi32, #tpu.memory_space<hbm>>
          %dma_wait3A_56 = tpu.memref_slice %arg3[%mul3A_43] : memref<320000xi32, #tpu.memory_space<hbm>> -> memref<128xi32, #tpu.memory_space<hbm>>
          tpu.wait_dma2 semaphore(%run_scoped3A : memref<!tpu.dma_semaphore, #tpu.memory_space<semaphore_mem>>) src(%dma_wait3A_56 : memref<128xi32, #tpu.memory_space<hbm>>) dst(%arg8 : memref<128xi32, #tpu.memory_space<vmem>>)
          tpu.yield
        }) : () -> ()
        "tpu.region"() ({
          %run_scoped3A = tpu.sem_alloc : memref<!tpu.dma_semaphore, #tpu.memory_space<semaphore_mem>>
          %dma_start3A_53 = tpu.memref_slice %arg4[%mul3A_43] : memref<320000xi32, #tpu.memory_space<hbm>> -> memref<128xi32, #tpu.memory_space<hbm>>
          %dma_start3A_54 = tpu.memref_slice %arg4[%mul3A_43] : memref<320000xi32, #tpu.memory_space<hbm>> -> memref<128xi32, #tpu.memory_space<hbm>>
          tpu.enqueue_dma source(%dma_start3A_54 : memref<128xi32, #tpu.memory_space<hbm>>) target(%arg9 : memref<128xi32, #tpu.memory_space<vmem>>) target_semaphore(%run_scoped3A : memref<!tpu.dma_semaphore, #tpu.memory_space<semaphore_mem>>)
          %dma_wait3A_55 = tpu.memref_slice %arg4[%mul3A_43] : memref<320000xi32, #tpu.memory_space<hbm>> -> memref<128xi32, #tpu.memory_space<hbm>>
          %dma_wait3A_56 = tpu.memref_slice %arg4[%mul3A_43] : memref<320000xi32, #tpu.memory_space<hbm>> -> memref<128xi32, #tpu.memory_space<hbm>>
          tpu.wait_dma2 semaphore(%run_scoped3A : memref<!tpu.dma_semaphore, #tpu.memory_space<semaphore_mem>>) src(%dma_wait3A_56 : memref<128xi32, #tpu.memory_space<hbm>>) dst(%arg9 : memref<128xi32, #tpu.memory_space<vmem>>)
          tpu.yield
        }) : () -> ()
        "tpu.region"() ({
          %run_scoped3A = tpu.sem_alloc : memref<!tpu.dma_semaphore, #tpu.memory_space<semaphore_mem>>
          %dma_start3A_53 = tpu.memref_slice %arg5[%mul3A_43] : memref<320000xf32, #tpu.memory_space<hbm>> -> memref<128xf32, #tpu.memory_space<hbm>>
          %dma_start3A_54 = tpu.memref_slice %arg5[%mul3A_43] : memref<320000xf32, #tpu.memory_space<hbm>> -> memref<128xf32, #tpu.memory_space<hbm>>
          tpu.enqueue_dma source(%dma_start3A_54 : memref<128xf32, #tpu.memory_space<hbm>>) target(%arg10 : memref<128xf32, #tpu.memory_space<vmem>>) target_semaphore(%run_scoped3A : memref<!tpu.dma_semaphore, #tpu.memory_space<semaphore_mem>>)
          %dma_wait3A_55 = tpu.memref_slice %arg5[%mul3A_43] : memref<320000xf32, #tpu.memory_space<hbm>> -> memref<128xf32, #tpu.memory_space<hbm>>
          %dma_wait3A_56 = tpu.memref_slice %arg5[%mul3A_43] : memref<320000xf32, #tpu.memory_space<hbm>> -> memref<128xf32, #tpu.memory_space<hbm>>
          tpu.wait_dma2 semaphore(%run_scoped3A : memref<!tpu.dma_semaphore, #tpu.memory_space<semaphore_mem>>) src(%dma_wait3A_56 : memref<128xf32, #tpu.memory_space<hbm>>) dst(%arg10 : memref<128xf32, #tpu.memory_space<vmem>>)
          tpu.yield
        }) : () -> ()
        %dma_start3A = arith.constant 0 : i32
        %dma_start3A_44 = arith.constant 0 : i32
        %dma_start3A_45 = tpu.memref_slice %arg2[%dma_start3A, %dma_start3A_44] : memref<10000x128xf32, #tpu.memory_space<hbm>> -> memref<10000x128xf32, #tpu.memory_space<hbm>>
        tpu.enqueue_indirect_dma source(%dma_start3A_45 : memref<10000x128xf32, #tpu.memory_space<hbm>>) target(%arg7 : memref<128x128xf32, #tpu.memory_space<vmem>>) offsets(%arg8 : memref<128xi32, #tpu.memory_space<vmem>>) semaphore(%arg12 : memref<!tpu.dma_semaphore, #tpu.memory_space<semaphore_mem>>)
        %dma_wait3A = arith.constant 0 : i32
        %dma_wait3A_46 = arith.constant 0 : i32
        %dma_wait3A_47 = tpu.memref_slice %arg2[%dma_wait3A, %dma_wait3A_46] : memref<10000x128xf32, #tpu.memory_space<hbm>> -> memref<10000x128xf32, #tpu.memory_space<hbm>>
        tpu.wait_indirect_dma semaphore(%arg12 : memref<!tpu.dma_semaphore, #tpu.memory_space<semaphore_mem>>) src(%dma_wait3A_47 : memref<10000x128xf32, #tpu.memory_space<hbm>>) dst(%arg7 : memref<128x128xf32, #tpu.memory_space<vmem>>)
        %scan3A_48 = arith.constant 0 : i32
        %scan3A_49 = arith.constant 128 : i32
        %scan3A_50 = arith.addi %scan3A_48, %scan3A_49 : i32
        %scan3A_51 = arith.constant 1 : i32
        scf.for %scan3A_53 = %scan3A_48 to %scan3A_50 step %scan3A_51  : i32 {
          %mul3A_54 = arith.constant 1 : i32
          %mul3A_55 = arith.muli %scan3A_53, %mul3A_54 : i32
          %add3A_56 = arith.constant 0 : i32
          %add3A_57 = arith.addi %add3A_56, %mul3A_55 : i32
          %broadcast_in_dim3A = vector.broadcast %add3A_57 : i32 to vector<16xi32>
          %gather3A = tpu.vector_load_idx %arg10[%broadcast_in_dim3A] : memref<128xf32, #tpu.memory_space<vmem>>[vector<16xi32>], vector<16xf32>,
          %get3A = arith.index_cast %add3A_57 : i32 to index
          %get3A_58 = arith.constant 0 : index
          %get3A_59 = tpu.vector_load %arg7[%get3A, %get3A_58] {strides = array<i32>} : memref<128x128xf32, #tpu.memory_space<vmem>>, vector<16xf32>,
          %mul3A_60 = arith.mulf %get3A_59, %gather3A : vector<16xf32>
          %swap3A = arith.index_cast %add3A_57 : i32 to index
          %swap3A_61 = arith.constant 0 : index
          %swap3A_62 = tpu.vector_load %arg7[%swap3A, %swap3A_61] {strides = array<i32>} : memref<128x128xf32, #tpu.memory_space<vmem>>, vector<16xf32>,
          tpu.vector_store %arg7[%swap3A, %swap3A_61], %mul3A_60 {strides = array<i32>} : memref<128x128xf32, #tpu.memory_space<vmem>>, vector<16xf32>,
          %get3A_63 = arith.index_cast %add3A_57 : i32 to index
          %get3A_64 = arith.constant 16 : index
          %get3A_65 = tpu.vector_load %arg7[%get3A_63, %get3A_64] {strides = array<i32>} : memref<128x128xf32, #tpu.memory_space<vmem>>, vector<16xf32>,
          %mul3A_66 = arith.mulf %get3A_65, %gather3A : vector<16xf32>
          %swap3A_67 = arith.index_cast %add3A_57 : i32 to index
          %swap3A_68 = arith.constant 16 : index
          %swap3A_69 = tpu.vector_load %arg7[%swap3A_67, %swap3A_68] {strides = array<i32>} : memref<128x128xf32, #tpu.memory_space<vmem>>, vector<16xf32>,
          tpu.vector_store %arg7[%swap3A_67, %swap3A_68], %mul3A_66 {strides = array<i32>} : memref<128x128xf32, #tpu.memory_space<vmem>>, vector<16xf32>,
          %get3A_70 = arith.index_cast %add3A_57 : i32 to index
          %get3A_71 = arith.constant 32 : index
          %get3A_72 = tpu.vector_load %arg7[%get3A_70, %get3A_71] {strides = array<i32>} : memref<128x128xf32, #tpu.memory_space<vmem>>, vector<16xf32>,
          %mul3A_73 = arith.mulf %get3A_72, %gather3A : vector<16xf32>
          %swap3A_74 = arith.index_cast %add3A_57 : i32 to index
          %swap3A_75 = arith.constant 32 : index
          %swap3A_76 = tpu.vector_load %arg7[%swap3A_74, %swap3A_75] {strides = array<i32>} : memref<128x128xf32, #tpu.memory_space<vmem>>, vector<16xf32>,
          tpu.vector_store %arg7[%swap3A_74, %swap3A_75], %mul3A_73 {strides = array<i32>} : memref<128x128xf32, #tpu.memory_space<vmem>>, vector<16xf32>,
          %get3A_77 = arith.index_cast %add3A_57 : i32 to index
          %get3A_78 = arith.constant 48 : index
          %get3A_79 = tpu.vector_load %arg7[%get3A_77, %get3A_78] {strides = array<i32>} : memref<128x128xf32, #tpu.memory_space<vmem>>, vector<16xf32>,
          %mul3A_80 = arith.mulf %get3A_79, %gather3A : vector<16xf32>
          %swap3A_81 = arith.index_cast %add3A_57 : i32 to index
          %swap3A_82 = arith.constant 48 : index
          %swap3A_83 = tpu.vector_load %arg7[%swap3A_81, %swap3A_82] {strides = array<i32>} : memref<128x128xf32, #tpu.memory_space<vmem>>, vector<16xf32>,
          tpu.vector_store %arg7[%swap3A_81, %swap3A_82], %mul3A_80 {strides = array<i32>} : memref<128x128xf32, #tpu.memory_space<vmem>>, vector<16xf32>,
          %get3A_84 = arith.index_cast %add3A_57 : i32 to index
          %get3A_85 = arith.constant 64 : index
          %get3A_86 = tpu.vector_load %arg7[%get3A_84, %get3A_85] {strides = array<i32>} : memref<128x128xf32, #tpu.memory_space<vmem>>, vector<16xf32>,
          %mul3A_87 = arith.mulf %get3A_86, %gather3A : vector<16xf32>
          %swap3A_88 = arith.index_cast %add3A_57 : i32 to index
          %swap3A_89 = arith.constant 64 : index
          %swap3A_90 = tpu.vector_load %arg7[%swap3A_88, %swap3A_89] {strides = array<i32>} : memref<128x128xf32, #tpu.memory_space<vmem>>, vector<16xf32>,
          tpu.vector_store %arg7[%swap3A_88, %swap3A_89], %mul3A_87 {strides = array<i32>} : memref<128x128xf32, #tpu.memory_space<vmem>>, vector<16xf32>,
          %get3A_91 = arith.index_cast %add3A_57 : i32 to index
          %get3A_92 = arith.constant 80 : index
          %get3A_93 = tpu.vector_load %arg7[%get3A_91, %get3A_92] {strides = array<i32>} : memref<128x128xf32, #tpu.memory_space<vmem>>, vector<16xf32>,
          %mul3A_94 = arith.mulf %get3A_93, %gather3A : vector<16xf32>
          %swap3A_95 = arith.index_cast %add3A_57 : i32 to index
          %swap3A_96 = arith.constant 80 : index
          %swap3A_97 = tpu.vector_load %arg7[%swap3A_95, %swap3A_96] {strides = array<i32>} : memref<128x128xf32, #tpu.memory_space<vmem>>, vector<16xf32>,
          tpu.vector_store %arg7[%swap3A_95, %swap3A_96], %mul3A_94 {strides = array<i32>} : memref<128x128xf32, #tpu.memory_space<vmem>>, vector<16xf32>,
          %get3A_98 = arith.index_cast %add3A_57 : i32 to index
          %get3A_99 = arith.constant 96 : index
          %get3A_100 = tpu.vector_load %arg7[%get3A_98, %get3A_99] {strides = array<i32>} : memref<128x128xf32, #tpu.memory_space<vmem>>, vector<16xf32>,
          %mul3A_101 = arith.mulf %get3A_100, %gather3A : vector<16xf32>
          %swap3A_102 = arith.index_cast %add3A_57 : i32 to index
          %swap3A_103 = arith.constant 96 : index
          %swap3A_104 = tpu.vector_load %arg7[%swap3A_102, %swap3A_103] {strides = array<i32>} : memref<128x128xf32, #tpu.memory_space<vmem>>, vector<16xf32>,
          tpu.vector_store %arg7[%swap3A_102, %swap3A_103], %mul3A_101 {strides = array<i32>} : memref<128x128xf32, #tpu.memory_space<vmem>>, vector<16xf32>,
          %get3A_105 = arith.index_cast %add3A_57 : i32 to index
          %get3A_106 = arith.constant 112 : index
          %get3A_107 = tpu.vector_load %arg7[%get3A_105, %get3A_106] {strides = array<i32>} : memref<128x128xf32, #tpu.memory_space<vmem>>, vector<16xf32>,
          %mul3A_108 = arith.mulf %get3A_107, %gather3A : vector<16xf32>
          %swap3A_109 = arith.index_cast %add3A_57 : i32 to index
          %swap3A_110 = arith.constant 112 : index
          %swap3A_111 = tpu.vector_load %arg7[%swap3A_109, %swap3A_110] {strides = array<i32>} : memref<128x128xf32, #tpu.memory_space<vmem>>, vector<16xf32>,
          tpu.vector_store %arg7[%swap3A_109, %swap3A_110], %mul3A_108 {strides = array<i32>} : memref<128x128xf32, #tpu.memory_space<vmem>>, vector<16xf32>,
        }
        %scan3A_52 = arith.constant 128 : i32
        "tpu.region"() ({
          %run_scoped3A = tpu.sem_alloc : memref<!tpu.dma_semaphore, #tpu.memory_space<semaphore_mem>>
          %dma_start3A_53 = arith.constant 0 : i32
          %dma_start3A_54 = arith.constant 0 : i32
          %dma_start3A_55 = tpu.memref_slice %arg11[%dma_start3A_53, %dma_start3A_54] : memref<10000x128xf32, #tpu.memory_space<vmem_shared>> -> memref<10000x128xf32, #tpu.memory_space<vmem_shared>>
          tpu.enqueue_indirect_dma source(%arg7 : memref<128x128xf32, #tpu.memory_space<vmem>>) target(%dma_start3A_55 : memref<10000x128xf32, #tpu.memory_space<vmem_shared>>) offsets(%arg9 : memref<128xi32, #tpu.memory_space<vmem>>) semaphore(%run_scoped3A : memref<!tpu.dma_semaphore, #tpu.memory_space<semaphore_mem>>) {add = true}
          %dma_wait3A_56 = arith.constant 0 : i32
          %dma_wait3A_57 = arith.constant 0 : i32
          %dma_wait3A_58 = tpu.memref_slice %arg11[%dma_wait3A_56, %dma_wait3A_57] : memref<10000x128xf32, #tpu.memory_space<vmem_shared>> -> memref<10000x128xf32, #tpu.memory_space<vmem_shared>>
          tpu.wait_indirect_dma semaphore(%run_scoped3A : memref<!tpu.dma_semaphore, #tpu.memory_space<semaphore_mem>>) src(%arg7 : memref<128x128xf32, #tpu.memory_space<vmem>>) dst(%dma_wait3A_58 : memref<10000x128xf32, #tpu.memory_space<vmem_shared>>)
          tpu.yield
        }) : () -> ()
      } else {
      }
    }
    %scan3A_23 = arith.constant 79 : i32
    %barrier3A_24 = arith.constant 0 : index
    tpu.barrier barrier_id(%barrier3A_24)
    "tpu.region"() ({
      %run_scoped3A = tpu.sem_alloc : memref<!tpu.dma_semaphore, #tpu.memory_space<semaphore_mem>>
      %dma_start3A = arith.constant 0 : i32
      %dma_start3A_30 = tpu.memref_slice %arg6[%arg0, %mul3A_6, %dma_start3A] : memref<2x10000x128xf32, #tpu.memory_space<hbm>> -> memref<1x624x128xf32, #tpu.memory_space<hbm>>
      %dma_start3A_31 = tpu.memref_squeeze %dma_start3A_30 : memref<1x624x128xf32, #tpu.memory_space<hbm>> -> memref<624x128xf32, #tpu.memory_space<hbm>>
      %dma_start3A_32 = arith.constant 0 : i32
      %dma_start3A_33 = tpu.memref_slice %arg11[%mul3A_6, %dma_start3A_32] : memref<10000x128xf32, #tpu.memory_space<vmem_shared>> -> memref<624x128xf32, #tpu.memory_space<vmem_shared>>
      tpu.enqueue_dma source(%dma_start3A_33 : memref<624x128xf32, #tpu.memory_space<vmem_shared>>) target(%dma_start3A_31 : memref<624x128xf32, #tpu.memory_space<hbm>>) target_semaphore(%run_scoped3A : memref<!tpu.dma_semaphore, #tpu.memory_space<semaphore_mem>>)
      %dma_wait3A = arith.constant 0 : i32
      %dma_wait3A_34 = tpu.memref_slice %arg6[%arg0, %mul3A_6, %dma_wait3A] : memref<2x10000x128xf32, #tpu.memory_space<hbm>> -> memref<1x624x128xf32, #tpu.memory_space<hbm>>
      %dma_wait3A_35 = tpu.memref_squeeze %dma_wait3A_34 : memref<1x624x128xf32, #tpu.memory_space<hbm>> -> memref<624x128xf32, #tpu.memory_space<hbm>>
      %dma_wait3A_36 = arith.constant 0 : i32
      %dma_wait3A_37 = tpu.memref_slice %arg11[%mul3A_6, %dma_wait3A_36] : memref<10000x128xf32, #tpu.memory_space<vmem_shared>> -> memref<624x128xf32, #tpu.memory_space<vmem_shared>>
      tpu.wait_dma2 semaphore(%run_scoped3A : memref<!tpu.dma_semaphore, #tpu.memory_space<semaphore_mem>>) src(%dma_wait3A_37 : memref<624x128xf32, #tpu.memory_space<vmem_shared>>) dst(%dma_wait3A_35 : memref<624x128xf32, #tpu.memory_space<hbm>>)
      tpu.yield
    }) : () -> ()
    %eq3A_25 = arith.constant 15 : i32
    %eq3A_26 = arith.cmpi eq, %arg1, %eq3A_25 : i32
    %convert_element_type3A_27 = arith.extui %eq3A_26 : i1 to i32
    %cond3A_28 = arith.constant 0 : i32
    %cond3A_29 = arith.cmpi ne, %convert_element_type3A_27, %cond3A_28 : i32
    scf.if %cond3A_29 {
      "tpu.region"() ({
        %run_scoped3A = tpu.sem_alloc : memref<!tpu.dma_semaphore, #tpu.memory_space<semaphore_mem>>
        %dma_start3A = arith.constant 9984 : i32
        %dma_start3A_30 = arith.constant 0 : i32
        %dma_start3A_31 = tpu.memref_slice %arg6[%arg0, %dma_start3A, %dma_start3A_30] : memref<2x10000x128xf32, #tpu.memory_space<hbm>> -> memref<1x16x128xf32, #tpu.memory_space<hbm>>
        %dma_start3A_32 = tpu.memref_squeeze %dma_start3A_31 : memref<1x16x128xf32, #tpu.memory_space<hbm>> -> memref<16x128xf32, #tpu.memory_space<hbm>>
        %dma_start3A_33 = arith.constant 9984 : i32
        %dma_start3A_34 = arith.constant 0 : i32
        %dma_start3A_35 = tpu.memref_slice %arg11[%dma_start3A_33, %dma_start3A_34] : memref<10000x128xf32, #tpu.memory_space<vmem_shared>> -> memref<16x128xf32, #tpu.memory_space<vmem_shared>>
        tpu.enqueue_dma source(%dma_start3A_35 : memref<16x128xf32, #tpu.memory_space<vmem_shared>>) target(%dma_start3A_32 : memref<16x128xf32, #tpu.memory_space<hbm>>) target_semaphore(%run_scoped3A : memref<!tpu.dma_semaphore, #tpu.memory_space<semaphore_mem>>)
        %dma_wait3A = arith.constant 9984 : i32
        %dma_wait3A_36 = arith.constant 0 : i32
        %dma_wait3A_37 = tpu.memref_slice %arg6[%arg0, %dma_wait3A, %dma_wait3A_36] : memref<2x10000x128xf32, #tpu.memory_space<hbm>> -> memref<1x16x128xf32, #tpu.memory_space<hbm>>
        %dma_wait3A_38 = tpu.memref_squeeze %dma_wait3A_37 : memref<1x16x128xf32, #tpu.memory_space<hbm>> -> memref<16x128xf32, #tpu.memory_space<hbm>>
        %dma_wait3A_39 = arith.constant 9984 : i32
        %dma_wait3A_40 = arith.constant 0 : i32
        %dma_wait3A_41 = tpu.memref_slice %arg11[%dma_wait3A_39, %dma_wait3A_40] : memref<10000x128xf32, #tpu.memory_space<vmem_shared>> -> memref<16x128xf32, #tpu.memory_space<vmem_shared>>
        tpu.wait_dma2 semaphore(%run_scoped3A : memref<!tpu.dma_semaphore, #tpu.memory_space<semaphore_mem>>) src(%dma_wait3A_41 : memref<16x128xf32, #tpu.memory_space<vmem_shared>>) dst(%dma_wait3A_38 : memref<16x128xf32, #tpu.memory_space<hbm>>)
        tpu.yield
      }) : () -> ()
    } else {
    }
    return
  }
}

#map = affine_map<(d0, d1) -> (0, 0)>
#map1 = affine_map<(d0, d1) -> (0)>
#map2 = affine_map<(d0, d1) -> (0, 0, 0)>
module attributes {stable_mosaic.version = 14 : i64} {
  func.func @spmm(%arg0: i32, %arg1: i32, %arg2: memref<10000x128xf32, #tpu.memory_space<hbm>>, %arg3: memref<320000xi32, #tpu.memory_space<hbm>>, %arg4: memref<320000xi32, #tpu.memory_space<hbm>>, %arg5: memref<320000xf32, #tpu.memory_space<hbm>>, %arg6: memref<2x10000x128xf32, #tpu.memory_space<hbm>>, %arg7: memref<128x128xf32, #tpu.memory_space<vmem>>, %arg8: memref<128xi32, #tpu.memory_space<vmem>>, %arg9: memref<128xi32, #tpu.memory_space<vmem>>, %arg10: memref<128xf32, #tpu.memory_space<vmem>>, %arg11: memref<10000x128xf32, #tpu.memory_space<vmem_shared>>, %arg12: memref<!tpu.dma_semaphore, #tpu.memory_space<semaphore_mem>>) attributes {dimension_semantics = [#tpu.dimension_semantics<core_parallel>, #tpu.dimension_semantics<subcore_parallel>], iteration_bounds = array<i64: 2, 16>, scalar_prefetch = 0 : i64, scratch_operands = 6 : i64, tpu.core_type = #tpu.core_type<sc_vector_subcore>, window_params = [{transform_indices = #map}, {transform_indices = #map1}, {transform_indices = #map1}, {transform_indices = #map1}, {transform_indices = #map2}]} {
    %mul3A = arith.constant 2 : i32
    %mul3A_0 = arith.muli %arg1, %mul3A : i32
    %add3A = arith.addi %mul3A_0, %arg0 : i32
    %scan3A = arith.constant 0 : i32
    %scan3A_1 = arith.constant 128 : i32
    %scan3A_2 = arith.addi %scan3A, %scan3A_1 : i32
    %scan3A_3 = arith.constant 1 : i32
    scf.for %scan3A_30 = %scan3A to %scan3A_2 step %scan3A_3  : i32 {
      %mul3A_31 = arith.constant 1 : i32
      %mul3A_32 = arith.muli %scan3A_30, %mul3A_31 : i32
      %add3A_33 = arith.constant 0 : i32
      %add3A_34 = arith.addi %add3A_33, %mul3A_32 : i32
      %broadcast_in_dim3A = arith.constant 0.000000e+00 : f32
      %broadcast_in_dim3A_35 = vector.broadcast %broadcast_in_dim3A : f32 to vector<16xf32>
      %swap3A = arith.index_cast %add3A_34 : i32 to index
      %swap3A_36 = arith.constant 0 : index
      %swap3A_37 = tpu.vector_load %arg7[%swap3A, %swap3A_36] {strides = array<i32>} : memref<128x128xf32, #tpu.memory_space<vmem>>, vector<16xf32>,
      tpu.vector_store %arg7[%swap3A, %swap3A_36], %broadcast_in_dim3A_35 {strides = array<i32>} : memref<128x128xf32, #tpu.memory_space<vmem>>, vector<16xf32>,
      %broadcast_in_dim3A_38 = arith.constant 0.000000e+00 : f32
      %broadcast_in_dim3A_39 = vector.broadcast %broadcast_in_dim3A_38 : f32 to vector<16xf32>
      %swap3A_40 = arith.index_cast %add3A_34 : i32 to index
      %swap3A_41 = arith.constant 16 : index
      %swap3A_42 = tpu.vector_load %arg7[%swap3A_40, %swap3A_41] {strides = array<i32>} : memref<128x128xf32, #tpu.memory_space<vmem>>, vector<16xf32>,
      tpu.vector_store %arg7[%swap3A_40, %swap3A_41], %broadcast_in_dim3A_39 {strides = array<i32>} : memref<128x128xf32, #tpu.memory_space<vmem>>, vector<16xf32>,
      %broadcast_in_dim3A_43 = arith.constant 0.000000e+00 : f32
      %broadcast_in_dim3A_44 = vector.broadcast %broadcast_in_dim3A_43 : f32 to vector<16xf32>
      %swap3A_45 = arith.index_cast %add3A_34 : i32 to index
      %swap3A_46 = arith.constant 32 : index
      %swap3A_47 = tpu.vector_load %arg7[%swap3A_45, %swap3A_46] {strides = array<i32>} : memref<128x128xf32, #tpu.memory_space<vmem>>, vector<16xf32>,
      tpu.vector_store %arg7[%swap3A_45, %swap3A_46], %broadcast_in_dim3A_44 {strides = array<i32>} : memref<128x128xf32, #tpu.memory_space<vmem>>, vector<16xf32>,
      %broadcast_in_dim3A_48 = arith.constant 0.000000e+00 : f32
      %broadcast_in_dim3A_49 = vector.broadcast %broadcast_in_dim3A_48 : f32 to vector<16xf32>
      %swap3A_50 = arith.index_cast %add3A_34 : i32 to index
      %swap3A_51 = arith.constant 48 : index
      %swap3A_52 = tpu.vector_load %arg7[%swap3A_50, %swap3A_51] {strides = array<i32>} : memref<128x128xf32, #tpu.memory_space<vmem>>, vector<16xf32>,
      tpu.vector_store %arg7[%swap3A_50, %swap3A_51], %broadcast_in_dim3A_49 {strides = array<i32>} : memref<128x128xf32, #tpu.memory_space<vmem>>, vector<16xf32>,
      %broadcast_in_dim3A_53 = arith.constant 0.000000e+00 : f32
      %broadcast_in_dim3A_54 = vector.broadcast %broadcast_in_dim3A_53 : f32 to vector<16xf32>
      %swap3A_55 = arith.index_cast %add3A_34 : i32 to index
      %swap3A_56 = arith.constant 64 : index
      %swap3A_57 = tpu.vector_load %arg7[%swap3A_55, %swap3A_56] {strides = array<i32>} : memref<128x128xf32, #tpu.memory_space<vmem>>, vector<16xf32>,
      tpu.vector_store %arg7[%swap3A_55, %swap3A_56], %broadcast_in_dim3A_54 {strides = array<i32>} : memref<128x128xf32, #tpu.memory_space<vmem>>, vector<16xf32>,
      %broadcast_in_dim3A_58 = arith.constant 0.000000e+00 : f32
      %broadcast_in_dim3A_59 = vector.broadcast %broadcast_in_dim3A_58 : f32 to vector<16xf32>
      %swap3A_60 = arith.index_cast %add3A_34 : i32 to index
      %swap3A_61 = arith.constant 80 : index
      %swap3A_62 = tpu.vector_load %arg7[%swap3A_60, %swap3A_61] {strides = array<i32>} : memref<128x128xf32, #tpu.memory_space<vmem>>, vector<16xf32>,
      tpu.vector_store %arg7[%swap3A_60, %swap3A_61], %broadcast_in_dim3A_59 {strides = array<i32>} : memref<128x128xf32, #tpu.memory_space<vmem>>, vector<16xf32>,
      %broadcast_in_dim3A_63 = arith.constant 0.000000e+00 : f32
      %broadcast_in_dim3A_64 = vector.broadcast %broadcast_in_dim3A_63 : f32 to vector<16xf32>
      %swap3A_65 = arith.index_cast %add3A_34 : i32 to index
      %swap3A_66 = arith.constant 96 : index
      %swap3A_67 = tpu.vector_load %arg7[%swap3A_65, %swap3A_66] {strides = array<i32>} : memref<128x128xf32, #tpu.memory_space<vmem>>, vector<16xf32>,
      tpu.vector_store %arg7[%swap3A_65, %swap3A_66], %broadcast_in_dim3A_64 {strides = array<i32>} : memref<128x128xf32, #tpu.memory_space<vmem>>, vector<16xf32>,
      %broadcast_in_dim3A_68 = arith.constant 0.000000e+00 : f32
      %broadcast_in_dim3A_69 = vector.broadcast %broadcast_in_dim3A_68 : f32 to vector<16xf32>
      %swap3A_70 = arith.index_cast %add3A_34 : i32 to index
      %swap3A_71 = arith.constant 112 : index
      %swap3A_72 = tpu.vector_load %arg7[%swap3A_70, %swap3A_71] {strides = array<i32>} : memref<128x128xf32, #tpu.memory_space<vmem>>, vector<16xf32>,
      tpu.vector_store %arg7[%swap3A_70, %swap3A_71], %broadcast_in_dim3A_69 {strides = array<i32>} : memref<128x128xf32, #tpu.memory_space<vmem>>, vector<16xf32>,
    }
    %scan3A_4 = arith.constant 128 : i32
    %mul3A_5 = arith.constant 624 : i32
    %mul3A_6 = arith.muli %arg1, %mul3A_5 : i32
    %add3A_7 = arith.constant 0 : i32
    %add3A_8 = arith.addi %mul3A_6, %add3A_7 : i32
    "tpu.region"() ({
      %run_scoped3A = tpu.sem_alloc : memref<!tpu.dma_semaphore, #tpu.memory_space<semaphore_mem>>
      %dma_start3A = arith.constant 0 : i32
      %dma_start3A_30 = tpu.memref_slice %arg11[%add3A_8, %dma_start3A] : memref<10000x128xf32, #tpu.memory_space<vmem_shared>> -> memref<128x128xf32, #tpu.memory_space<vmem_shared>>
      %dma_start3A_31 = arith.constant 0 : i32
      %dma_start3A_32 = tpu.memref_slice %arg11[%add3A_8, %dma_start3A_31] : memref<10000x128xf32, #tpu.memory_space<vmem_shared>> -> memref<128x128xf32, #tpu.memory_space<vmem_shared>>
      tpu.enqueue_dma source(%arg7 : memref<128x128xf32, #tpu.memory_space<vmem>>) target(%dma_start3A_32 : memref<128x128xf32, #tpu.memory_space<vmem_shared>>) target_semaphore(%run_scoped3A : memref<!tpu.dma_semaphore, #tpu.memory_space<semaphore_mem>>)
      %dma_wait3A = arith.constant 0 : i32
      %dma_wait3A_33 = tpu.memref_slice %arg11[%add3A_8, %dma_wait3A] : memref<10000x128xf32, #tpu.memory_space<vmem_shared>> -> memref<128x128xf32, #tpu.memory_space<vmem_shared>>
      %dma_wait3A_34 = arith.constant 0 : i32
      %dma_wait3A_35 = tpu.memref_slice %arg11[%add3A_8, %dma_wait3A_34] : memref<10000x128xf32, #tpu.memory_space<vmem_shared>> -> memref<128x128xf32, #tpu.memory_space<vmem_shared>>
      tpu.wait_dma2 semaphore(%run_scoped3A : memref<!tpu.dma_semaphore, #tpu.memory_space<semaphore_mem>>) src(%arg7 : memref<128x128xf32, #tpu.memory_space<vmem>>) dst(%dma_wait3A_35 : memref<128x128xf32, #tpu.memory_space<vmem_shared>>)
      tpu.yield
    }) : () -> ()
    %add3A_9 = arith.constant 128 : i32
    %add3A_10 = arith.addi %mul3A_6, %add3A_9 : i32
    "tpu.region"() ({
      %run_scoped3A = tpu.sem_alloc : memref<!tpu.dma_semaphore, #tpu.memory_space<semaphore_mem>>
      %dma_start3A = arith.constant 0 : i32
      %dma_start3A_30 = tpu.memref_slice %arg11[%add3A_10, %dma_start3A] : memref<10000x128xf32, #tpu.memory_space<vmem_shared>> -> memref<128x128xf32, #tpu.memory_space<vmem_shared>>
      %dma_start3A_31 = arith.constant 0 : i32
      %dma_start3A_32 = tpu.memref_slice %arg11[%add3A_10, %dma_start3A_31] : memref<10000x128xf32, #tpu.memory_space<vmem_shared>> -> memref<128x128xf32, #tpu.memory_space<vmem_shared>>
      tpu.enqueue_dma source(%arg7 : memref<128x128xf32, #tpu.memory_space<vmem>>) target(%dma_start3A_32 : memref<128x128xf32, #tpu.memory_space<vmem_shared>>) target_semaphore(%run_scoped3A : memref<!tpu.dma_semaphore, #tpu.memory_space<semaphore_mem>>)
      %dma_wait3A = arith.constant 0 : i32
      %dma_wait3A_33 = tpu.memref_slice %arg11[%add3A_10, %dma_wait3A] : memref<10000x128xf32, #tpu.memory_space<vmem_shared>> -> memref<128x128xf32, #tpu.memory_space<vmem_shared>>
      %dma_wait3A_34 = arith.constant 0 : i32
      %dma_wait3A_35 = tpu.memref_slice %arg11[%add3A_10, %dma_wait3A_34] : memref<10000x128xf32, #tpu.memory_space<vmem_shared>> -> memref<128x128xf32, #tpu.memory_space<vmem_shared>>
      tpu.wait_dma2 semaphore(%run_scoped3A : memref<!tpu.dma_semaphore, #tpu.memory_space<semaphore_mem>>) src(%arg7 : memref<128x128xf32, #tpu.memory_space<vmem>>) dst(%dma_wait3A_35 : memref<128x128xf32, #tpu.memory_space<vmem_shared>>)
      tpu.yield
    }) : () -> ()
    %add3A_11 = arith.constant 256 : i32
    %add3A_12 = arith.addi %mul3A_6, %add3A_11 : i32
    "tpu.region"() ({
      %run_scoped3A = tpu.sem_alloc : memref<!tpu.dma_semaphore, #tpu.memory_space<semaphore_mem>>
      %dma_start3A = arith.constant 0 : i32
      %dma_start3A_30 = tpu.memref_slice %arg11[%add3A_12, %dma_start3A] : memref<10000x128xf32, #tpu.memory_space<vmem_shared>> -> memref<128x128xf32, #tpu.memory_space<vmem_shared>>
      %dma_start3A_31 = arith.constant 0 : i32
      %dma_start3A_32 = tpu.memref_slice %arg11[%add3A_12, %dma_start3A_31] : memref<10000x128xf32, #tpu.memory_space<vmem_shared>> -> memref<128x128xf32, #tpu.memory_space<vmem_shared>>
      tpu.enqueue_dma source(%arg7 : memref<128x128xf32, #tpu.memory_space<vmem>>) target(%dma_start3A_32 : memref<128x128xf32, #tpu.memory_space<vmem_shared>>) target_semaphore(%run_scoped3A : memref<!tpu.dma_semaphore, #tpu.memory_space<semaphore_mem>>)
      %dma_wait3A = arith.constant 0 : i32
      %dma_wait3A_33 = tpu.memref_slice %arg11[%add3A_12, %dma_wait3A] : memref<10000x128xf32, #tpu.memory_space<vmem_shared>> -> memref<128x128xf32, #tpu.memory_space<vmem_shared>>
      %dma_wait3A_34 = arith.constant 0 : i32
      %dma_wait3A_35 = tpu.memref_slice %arg11[%add3A_12, %dma_wait3A_34] : memref<10000x128xf32, #tpu.memory_space<vmem_shared>> -> memref<128x128xf32, #tpu.memory_space<vmem_shared>>
      tpu.wait_dma2 semaphore(%run_scoped3A : memref<!tpu.dma_semaphore, #tpu.memory_space<semaphore_mem>>) src(%arg7 : memref<128x128xf32, #tpu.memory_space<vmem>>) dst(%dma_wait3A_35 : memref<128x128xf32, #tpu.memory_space<vmem_shared>>)
      tpu.yield
    }) : () -> ()
    %add3A_13 = arith.constant 384 : i32
    %add3A_14 = arith.addi %mul3A_6, %add3A_13 : i32
    "tpu.region"() ({
      %run_scoped3A = tpu.sem_alloc : memref<!tpu.dma_semaphore, #tpu.memory_space<semaphore_mem>>
      %dma_start3A = arith.constant 0 : i32
      %dma_start3A_30 = tpu.memref_slice %arg11[%add3A_14, %dma_start3A] : memref<10000x128xf32, #tpu.memory_space<vmem_shared>> -> memref<128x128xf32, #tpu.memory_space<vmem_shared>>
      %dma_start3A_31 = arith.constant 0 : i32
      %dma_start3A_32 = tpu.memref_slice %arg11[%add3A_14, %dma_start3A_31] : memref<10000x128xf32, #tpu.memory_space<vmem_shared>> -> memref<128x128xf32, #tpu.memory_space<vmem_shared>>
      tpu.enqueue_dma source(%arg7 : memref<128x128xf32, #tpu.memory_space<vmem>>) target(%dma_start3A_32 : memref<128x128xf32, #tpu.memory_space<vmem_shared>>) target_semaphore(%run_scoped3A : memref<!tpu.dma_semaphore, #tpu.memory_space<semaphore_mem>>)
      %dma_wait3A = arith.constant 0 : i32
      %dma_wait3A_33 = tpu.memref_slice %arg11[%add3A_14, %dma_wait3A] : memref<10000x128xf32, #tpu.memory_space<vmem_shared>> -> memref<128x128xf32, #tpu.memory_space<vmem_shared>>
      %dma_wait3A_34 = arith.constant 0 : i32
      %dma_wait3A_35 = tpu.memref_slice %arg11[%add3A_14, %dma_wait3A_34] : memref<10000x128xf32, #tpu.memory_space<vmem_shared>> -> memref<128x128xf32, #tpu.memory_space<vmem_shared>>
      tpu.wait_dma2 semaphore(%run_scoped3A : memref<!tpu.dma_semaphore, #tpu.memory_space<semaphore_mem>>) src(%arg7 : memref<128x128xf32, #tpu.memory_space<vmem>>) dst(%dma_wait3A_35 : memref<128x128xf32, #tpu.memory_space<vmem_shared>>)
      tpu.yield
    }) : () -> ()
    %add3A_15 = arith.constant 512 : i32
    %add3A_16 = arith.addi %mul3A_6, %add3A_15 : i32
    "tpu.region"() ({
      %run_scoped3A = tpu.sem_alloc : memref<!tpu.dma_semaphore, #tpu.memory_space<semaphore_mem>>
      %dma_start3A = arith.constant 0 : i32
      %dma_start3A_30 = arith.constant 0 : i32
      %dma_start3A_31 = tpu.memref_slice %arg7[%dma_start3A, %dma_start3A_30] : memref<128x128xf32, #tpu.memory_space<vmem>> -> memref<112x128xf32, #tpu.memory_space<vmem>>
      %dma_start3A_32 = arith.constant 0 : i32
      %dma_start3A_33 = tpu.memref_slice %arg11[%add3A_16, %dma_start3A_32] : memref<10000x128xf32, #tpu.memory_space<vmem_shared>> -> memref<112x128xf32, #tpu.memory_space<vmem_shared>>
      %dma_start3A_34 = arith.constant 0 : i32
      %dma_start3A_35 = tpu.memref_slice %arg11[%add3A_16, %dma_start3A_34] : memref<10000x128xf32, #tpu.memory_space<vmem_shared>> -> memref<112x128xf32, #tpu.memory_space<vmem_shared>>
      %dma_start3A_36 = arith.constant 0 : i32
      %dma_start3A_37 = arith.constant 0 : i32
      %dma_start3A_38 = tpu.memref_slice %arg7[%dma_start3A_36, %dma_start3A_37] : memref<128x128xf32, #tpu.memory_space<vmem>> -> memref<112x128xf32, #tpu.memory_space<vmem>>
      tpu.enqueue_dma source(%dma_start3A_38 : memref<112x128xf32, #tpu.memory_space<vmem>>) target(%dma_start3A_35 : memref<112x128xf32, #tpu.memory_space<vmem_shared>>) target_semaphore(%run_scoped3A : memref<!tpu.dma_semaphore, #tpu.memory_space<semaphore_mem>>)
      %dma_wait3A = arith.constant 0 : i32
      %dma_wait3A_39 = arith.constant 0 : i32
      %dma_wait3A_40 = tpu.memref_slice %arg7[%dma_wait3A, %dma_wait3A_39] : memref<128x128xf32, #tpu.memory_space<vmem>> -> memref<112x128xf32, #tpu.memory_space<vmem>>
      %dma_wait3A_41 = arith.constant 0 : i32
      %dma_wait3A_42 = tpu.memref_slice %arg11[%add3A_16, %dma_wait3A_41] : memref<10000x128xf32, #tpu.memory_space<vmem_shared>> -> memref<112x128xf32, #tpu.memory_space<vmem_shared>>
      %dma_wait3A_43 = arith.constant 0 : i32
      %dma_wait3A_44 = tpu.memref_slice %arg11[%add3A_16, %dma_wait3A_43] : memref<10000x128xf32, #tpu.memory_space<vmem_shared>> -> memref<112x128xf32, #tpu.memory_space<vmem_shared>>
      %dma_wait3A_45 = arith.constant 0 : i32
      %dma_wait3A_46 = arith.constant 0 : i32
      %dma_wait3A_47 = tpu.memref_slice %arg7[%dma_wait3A_45, %dma_wait3A_46] : memref<128x128xf32, #tpu.memory_space<vmem>> -> memref<112x128xf32, #tpu.memory_space<vmem>>
      tpu.wait_dma2 semaphore(%run_scoped3A : memref<!tpu.dma_semaphore, #tpu.memory_space<semaphore_mem>>) src(%dma_wait3A_47 : memref<112x128xf32, #tpu.memory_space<vmem>>) dst(%dma_wait3A_44 : memref<112x128xf32, #tpu.memory_space<vmem_shared>>)
      tpu.yield
    }) : () -> ()
    %eq3A = arith.constant 15 : i32
    %eq3A_17 = arith.cmpi eq, %arg1, %eq3A : i32
    %convert_element_type3A = arith.extui %eq3A_17 : i1 to i32
    %cond3A = arith.constant 0 : i32
    %cond3A_18 = arith.cmpi ne, %convert_element_type3A, %cond3A : i32
    scf.if %cond3A_18 {
      "tpu.region"() ({
        %run_scoped3A = tpu.sem_alloc : memref<!tpu.dma_semaphore, #tpu.memory_space<semaphore_mem>>
        %dma_start3A = arith.constant 0 : i32
        %dma_start3A_30 = arith.constant 0 : i32
        %dma_start3A_31 = tpu.memref_slice %arg7[%dma_start3A, %dma_start3A_30] : memref<128x128xf32, #tpu.memory_space<vmem>> -> memref<16x128xf32, #tpu.memory_space<vmem>>
        %dma_start3A_32 = arith.constant 9984 : i32
        %dma_start3A_33 = arith.constant 0 : i32
        %dma_start3A_34 = tpu.memref_slice %arg11[%dma_start3A_32, %dma_start3A_33] : memref<10000x128xf32, #tpu.memory_space<vmem_shared>> -> memref<16x128xf32, #tpu.memory_space<vmem_shared>>
        %dma_start3A_35 = arith.constant 9984 : i32
        %dma_start3A_36 = arith.constant 0 : i32
        %dma_start3A_37 = tpu.memref_slice %arg11[%dma_start3A_35, %dma_start3A_36] : memref<10000x128xf32, #tpu.memory_space<vmem_shared>> -> memref<16x128xf32, #tpu.memory_space<vmem_shared>>
        %dma_start3A_38 = arith.constant 0 : i32
        %dma_start3A_39 = arith.constant 0 : i32
        %dma_start3A_40 = tpu.memref_slice %arg7[%dma_start3A_38, %dma_start3A_39] : memref<128x128xf32, #tpu.memory_space<vmem>> -> memref<16x128xf32, #tpu.memory_space<vmem>>
        tpu.enqueue_dma source(%dma_start3A_40 : memref<16x128xf32, #tpu.memory_space<vmem>>) target(%dma_start3A_37 : memref<16x128xf32, #tpu.memory_space<vmem_shared>>) target_semaphore(%run_scoped3A : memref<!tpu.dma_semaphore, #tpu.memory_space<semaphore_mem>>)
        %dma_wait3A = arith.constant 0 : i32
        %dma_wait3A_41 = arith.constant 0 : i32
        %dma_wait3A_42 = tpu.memref_slice %arg7[%dma_wait3A, %dma_wait3A_41] : memref<128x128xf32, #tpu.memory_space<vmem>> -> memref<16x128xf32, #tpu.memory_space<vmem>>
        %dma_wait3A_43 = arith.constant 9984 : i32
        %dma_wait3A_44 = arith.constant 0 : i32
        %dma_wait3A_45 = tpu.memref_slice %arg11[%dma_wait3A_43, %dma_wait3A_44] : memref<10000x128xf32, #tpu.memory_space<vmem_shared>> -> memref<16x128xf32, #tpu.memory_space<vmem_shared>>
        %dma_wait3A_46 = arith.constant 9984 : i32
        %dma_wait3A_47 = arith.constant 0 : i32
        %dma_wait3A_48 = tpu.memref_slice %arg11[%dma_wait3A_46, %dma_wait3A_47] : memref<10000x128xf32, #tpu.memory_space<vmem_shared>> -> memref<16x128xf32, #tpu.memory_space<vmem_shared>>
        %dma_wait3A_49 = arith.constant 0 : i32
        %dma_wait3A_50 = arith.constant 0 : i32
        %dma_wait3A_51 = tpu.memref_slice %arg7[%dma_wait3A_49, %dma_wait3A_50] : memref<128x128xf32, #tpu.memory_space<vmem>> -> memref<16x128xf32, #tpu.memory_space<vmem>>
        tpu.wait_dma2 semaphore(%run_scoped3A : memref<!tpu.dma_semaphore, #tpu.memory_space<semaphore_mem>>) src(%dma_wait3A_51 : memref<16x128xf32, #tpu.memory_space<vmem>>) dst(%dma_wait3A_48 : memref<16x128xf32, #tpu.memory_space<vmem_shared>>)
        tpu.yield
      }) : () -> ()
    } else {
    }
    %barrier3A = arith.constant 0 : index
    tpu.barrier barrier_id(%barrier3A)
    %scan3A_19 = arith.constant 0 : i32
    %scan3A_20 = arith.constant 79 : i32
    %scan3A_21 = arith.addi %scan3A_19, %scan3A_20 : i32
    %scan3A_22 = arith.constant 1 : i32
    scf.for %scan3A_30 = %scan3A_19 to %scan3A_21 step %scan3A_22  : i32 {
      %mul3A_31 = arith.constant 1 : i32
      %mul3A_32 = arith.muli %scan3A_30, %mul3A_31 : i32
      %add3A_33 = arith.constant 0 : i32
      %add3A_34 = arith.addi %add3A_33, %mul3A_32 : i32
      %mul3A_35 = arith.constant 32 : i32
      %mul3A_36 = arith.muli %add3A_34, %mul3A_35 : i32
      %add3A_37 = arith.addi %add3A, %mul3A_36 : i32
      %lt3A = arith.constant 2500 : i32
      %lt3A_38 = arith.cmpi slt, %add3A_37, %lt3A : i32
      %convert_element_type3A_39 = arith.extui %lt3A_38 : i1 to i32
      %cond3A_40 = arith.constant 0 : i32
      %cond3A_41 = arith.cmpi ne, %convert_element_type3A_39, %cond3A_40 : i32
      scf.if %cond3A_41 {
        %mul3A_42 = arith.constant 128 : i32
        %mul3A_43 = arith.muli %add3A_37, %mul3A_42 : i32
        "tpu.region"() ({
          %run_scoped3A = tpu.sem_alloc : memref<!tpu.dma_semaphore, #tpu.memory_space<semaphore_mem>>
          %dma_start3A_53 = tpu.memref_slice %arg3[%mul3A_43] : memref<320000xi32, #tpu.memory_space<hbm>> -> memref<128xi32, #tpu.memory_space<hbm>>
          %dma_start3A_54 = tpu.memref_slice %arg3[%mul3A_43] : memref<320000xi32, #tpu.memory_space<hbm>> -> memref<128xi32, #tpu.memory_space<hbm>>
          tpu.enqueue_dma source(%dma_start3A_54 : memref<128xi32, #tpu.memory_space<hbm>>) target(%arg8 : memref<128xi32, #tpu.memory_space<vmem>>) target_semaphore(%run_scoped3A : memref<!tpu.dma_semaphore, #tpu.memory_space<semaphore_mem>>)
          %dma_wait3A_55 = tpu.memref_slice %arg3[%mul3A_43] : memref<320000xi32, #tpu.memory_space<hbm>> -> memref<128xi32, #tpu.memory_space<hbm>>
          %dma_wait3A_56 = tpu.memref_slice %arg3[%mul3A_43] : memref<320000xi32, #tpu.memory_space<hbm>> -> memref<128xi32, #tpu.memory_space<hbm>>
          tpu.wait_dma2 semaphore(%run_scoped3A : memref<!tpu.dma_semaphore, #tpu.memory_space<semaphore_mem>>) src(%dma_wait3A_56 : memref<128xi32, #tpu.memory_space<hbm>>) dst(%arg8 : memref<128xi32, #tpu.memory_space<vmem>>)
          tpu.yield
        }) : () -> ()
        "tpu.region"() ({
          %run_scoped3A = tpu.sem_alloc : memref<!tpu.dma_semaphore, #tpu.memory_space<semaphore_mem>>
          %dma_start3A_53 = tpu.memref_slice %arg4[%mul3A_43] : memref<320000xi32, #tpu.memory_space<hbm>> -> memref<128xi32, #tpu.memory_space<hbm>>
          %dma_start3A_54 = tpu.memref_slice %arg4[%mul3A_43] : memref<320000xi32, #tpu.memory_space<hbm>> -> memref<128xi32, #tpu.memory_space<hbm>>
          tpu.enqueue_dma source(%dma_start3A_54 : memref<128xi32, #tpu.memory_space<hbm>>) target(%arg9 : memref<128xi32, #tpu.memory_space<vmem>>) target_semaphore(%run_scoped3A : memref<!tpu.dma_semaphore, #tpu.memory_space<semaphore_mem>>)
          %dma_wait3A_55 = tpu.memref_slice %arg4[%mul3A_43] : memref<320000xi32, #tpu.memory_space<hbm>> -> memref<128xi32, #tpu.memory_space<hbm>>
          %dma_wait3A_56 = tpu.memref_slice %arg4[%mul3A_43] : memref<320000xi32, #tpu.memory_space<hbm>> -> memref<128xi32, #tpu.memory_space<hbm>>
          tpu.wait_dma2 semaphore(%run_scoped3A : memref<!tpu.dma_semaphore, #tpu.memory_space<semaphore_mem>>) src(%dma_wait3A_56 : memref<128xi32, #tpu.memory_space<hbm>>) dst(%arg9 : memref<128xi32, #tpu.memory_space<vmem>>)
          tpu.yield
        }) : () -> ()
        "tpu.region"() ({
          %run_scoped3A = tpu.sem_alloc : memref<!tpu.dma_semaphore, #tpu.memory_space<semaphore_mem>>
          %dma_start3A_53 = tpu.memref_slice %arg5[%mul3A_43] : memref<320000xf32, #tpu.memory_space<hbm>> -> memref<128xf32, #tpu.memory_space<hbm>>
          %dma_start3A_54 = tpu.memref_slice %arg5[%mul3A_43] : memref<320000xf32, #tpu.memory_space<hbm>> -> memref<128xf32, #tpu.memory_space<hbm>>
          tpu.enqueue_dma source(%dma_start3A_54 : memref<128xf32, #tpu.memory_space<hbm>>) target(%arg10 : memref<128xf32, #tpu.memory_space<vmem>>) target_semaphore(%run_scoped3A : memref<!tpu.dma_semaphore, #tpu.memory_space<semaphore_mem>>)
          %dma_wait3A_55 = tpu.memref_slice %arg5[%mul3A_43] : memref<320000xf32, #tpu.memory_space<hbm>> -> memref<128xf32, #tpu.memory_space<hbm>>
          %dma_wait3A_56 = tpu.memref_slice %arg5[%mul3A_43] : memref<320000xf32, #tpu.memory_space<hbm>> -> memref<128xf32, #tpu.memory_space<hbm>>
          tpu.wait_dma2 semaphore(%run_scoped3A : memref<!tpu.dma_semaphore, #tpu.memory_space<semaphore_mem>>) src(%dma_wait3A_56 : memref<128xf32, #tpu.memory_space<hbm>>) dst(%arg10 : memref<128xf32, #tpu.memory_space<vmem>>)
          tpu.yield
        }) : () -> ()
        %dma_start3A = arith.constant 0 : i32
        %dma_start3A_44 = arith.constant 0 : i32
        %dma_start3A_45 = tpu.memref_slice %arg2[%dma_start3A, %dma_start3A_44] : memref<10000x128xf32, #tpu.memory_space<hbm>> -> memref<10000x128xf32, #tpu.memory_space<hbm>>
        tpu.enqueue_indirect_dma source(%dma_start3A_45 : memref<10000x128xf32, #tpu.memory_space<hbm>>) target(%arg7 : memref<128x128xf32, #tpu.memory_space<vmem>>) offsets(%arg8 : memref<128xi32, #tpu.memory_space<vmem>>) semaphore(%arg12 : memref<!tpu.dma_semaphore, #tpu.memory_space<semaphore_mem>>)
        %dma_wait3A = arith.constant 0 : i32
        %dma_wait3A_46 = arith.constant 0 : i32
        %dma_wait3A_47 = tpu.memref_slice %arg2[%dma_wait3A, %dma_wait3A_46] : memref<10000x128xf32, #tpu.memory_space<hbm>> -> memref<10000x128xf32, #tpu.memory_space<hbm>>
        tpu.wait_indirect_dma semaphore(%arg12 : memref<!tpu.dma_semaphore, #tpu.memory_space<semaphore_mem>>) src(%dma_wait3A_47 : memref<10000x128xf32, #tpu.memory_space<hbm>>) dst(%arg7 : memref<128x128xf32, #tpu.memory_space<vmem>>)
        %scan3A_48 = arith.constant 0 : i32
        %scan3A_49 = arith.constant 128 : i32
        %scan3A_50 = arith.addi %scan3A_48, %scan3A_49 : i32
        %scan3A_51 = arith.constant 1 : i32
        scf.for %scan3A_53 = %scan3A_48 to %scan3A_50 step %scan3A_51  : i32 {
          %mul3A_54 = arith.constant 1 : i32
          %mul3A_55 = arith.muli %scan3A_53, %mul3A_54 : i32
          %add3A_56 = arith.constant 0 : i32
          %add3A_57 = arith.addi %add3A_56, %mul3A_55 : i32
          %broadcast_in_dim3A = vector.broadcast %add3A_57 : i32 to vector<16xi32>
          %gather3A = tpu.vector_load_idx %arg10[%broadcast_in_dim3A] : memref<128xf32, #tpu.memory_space<vmem>>[vector<16xi32>], vector<16xf32>,
          %get3A = arith.index_cast %add3A_57 : i32 to index
          %get3A_58 = arith.constant 0 : index
          %get3A_59 = tpu.vector_load %arg7[%get3A, %get3A_58] {strides = array<i32>} : memref<128x128xf32, #tpu.memory_space<vmem>>, vector<16xf32>,
          %mul3A_60 = arith.mulf %get3A_59, %gather3A : vector<16xf32>
          %swap3A = arith.index_cast %add3A_57 : i32 to index
          %swap3A_61 = arith.constant 0 : index
          %swap3A_62 = tpu.vector_load %arg7[%swap3A, %swap3A_61] {strides = array<i32>} : memref<128x128xf32, #tpu.memory_space<vmem>>, vector<16xf32>,
          tpu.vector_store %arg7[%swap3A, %swap3A_61], %mul3A_60 {strides = array<i32>} : memref<128x128xf32, #tpu.memory_space<vmem>>, vector<16xf32>,
          %get3A_63 = arith.index_cast %add3A_57 : i32 to index
          %get3A_64 = arith.constant 16 : index
          %get3A_65 = tpu.vector_load %arg7[%get3A_63, %get3A_64] {strides = array<i32>} : memref<128x128xf32, #tpu.memory_space<vmem>>, vector<16xf32>,
          %mul3A_66 = arith.mulf %get3A_65, %gather3A : vector<16xf32>
          %swap3A_67 = arith.index_cast %add3A_57 : i32 to index
          %swap3A_68 = arith.constant 16 : index
          %swap3A_69 = tpu.vector_load %arg7[%swap3A_67, %swap3A_68] {strides = array<i32>} : memref<128x128xf32, #tpu.memory_space<vmem>>, vector<16xf32>,
          tpu.vector_store %arg7[%swap3A_67, %swap3A_68], %mul3A_66 {strides = array<i32>} : memref<128x128xf32, #tpu.memory_space<vmem>>, vector<16xf32>,
          %get3A_70 = arith.index_cast %add3A_57 : i32 to index
          %get3A_71 = arith.constant 32 : index
          %get3A_72 = tpu.vector_load %arg7[%get3A_70, %get3A_71] {strides = array<i32>} : memref<128x128xf32, #tpu.memory_space<vmem>>, vector<16xf32>,
          %mul3A_73 = arith.mulf %get3A_72, %gather3A : vector<16xf32>
          %swap3A_74 = arith.index_cast %add3A_57 : i32 to index
          %swap3A_75 = arith.constant 32 : index
          %swap3A_76 = tpu.vector_load %arg7[%swap3A_74, %swap3A_75] {strides = array<i32>} : memref<128x128xf32, #tpu.memory_space<vmem>>, vector<16xf32>,
          tpu.vector_store %arg7[%swap3A_74, %swap3A_75], %mul3A_73 {strides = array<i32>} : memref<128x128xf32, #tpu.memory_space<vmem>>, vector<16xf32>,
          %get3A_77 = arith.index_cast %add3A_57 : i32 to index
          %get3A_78 = arith.constant 48 : index
          %get3A_79 = tpu.vector_load %arg7[%get3A_77, %get3A_78] {strides = array<i32>} : memref<128x128xf32, #tpu.memory_space<vmem>>, vector<16xf32>,
          %mul3A_80 = arith.mulf %get3A_79, %gather3A : vector<16xf32>
          %swap3A_81 = arith.index_cast %add3A_57 : i32 to index
          %swap3A_82 = arith.constant 48 : index
          %swap3A_83 = tpu.vector_load %arg7[%swap3A_81, %swap3A_82] {strides = array<i32>} : memref<128x128xf32, #tpu.memory_space<vmem>>, vector<16xf32>,
          tpu.vector_store %arg7[%swap3A_81, %swap3A_82], %mul3A_80 {strides = array<i32>} : memref<128x128xf32, #tpu.memory_space<vmem>>, vector<16xf32>,
          %get3A_84 = arith.index_cast %add3A_57 : i32 to index
          %get3A_85 = arith.constant 64 : index
          %get3A_86 = tpu.vector_load %arg7[%get3A_84, %get3A_85] {strides = array<i32>} : memref<128x128xf32, #tpu.memory_space<vmem>>, vector<16xf32>,
          %mul3A_87 = arith.mulf %get3A_86, %gather3A : vector<16xf32>
          %swap3A_88 = arith.index_cast %add3A_57 : i32 to index
          %swap3A_89 = arith.constant 64 : index
          %swap3A_90 = tpu.vector_load %arg7[%swap3A_88, %swap3A_89] {strides = array<i32>} : memref<128x128xf32, #tpu.memory_space<vmem>>, vector<16xf32>,
          tpu.vector_store %arg7[%swap3A_88, %swap3A_89], %mul3A_87 {strides = array<i32>} : memref<128x128xf32, #tpu.memory_space<vmem>>, vector<16xf32>,
          %get3A_91 = arith.index_cast %add3A_57 : i32 to index
          %get3A_92 = arith.constant 80 : index
          %get3A_93 = tpu.vector_load %arg7[%get3A_91, %get3A_92] {strides = array<i32>} : memref<128x128xf32, #tpu.memory_space<vmem>>, vector<16xf32>,
          %mul3A_94 = arith.mulf %get3A_93, %gather3A : vector<16xf32>
          %swap3A_95 = arith.index_cast %add3A_57 : i32 to index
          %swap3A_96 = arith.constant 80 : index
          %swap3A_97 = tpu.vector_load %arg7[%swap3A_95, %swap3A_96] {strides = array<i32>} : memref<128x128xf32, #tpu.memory_space<vmem>>, vector<16xf32>,
          tpu.vector_store %arg7[%swap3A_95, %swap3A_96], %mul3A_94 {strides = array<i32>} : memref<128x128xf32, #tpu.memory_space<vmem>>, vector<16xf32>,
          %get3A_98 = arith.index_cast %add3A_57 : i32 to index
          %get3A_99 = arith.constant 96 : index
          %get3A_100 = tpu.vector_load %arg7[%get3A_98, %get3A_99] {strides = array<i32>} : memref<128x128xf32, #tpu.memory_space<vmem>>, vector<16xf32>,
          %mul3A_101 = arith.mulf %get3A_100, %gather3A : vector<16xf32>
          %swap3A_102 = arith.index_cast %add3A_57 : i32 to index
          %swap3A_103 = arith.constant 96 : index
          %swap3A_104 = tpu.vector_load %arg7[%swap3A_102, %swap3A_103] {strides = array<i32>} : memref<128x128xf32, #tpu.memory_space<vmem>>, vector<16xf32>,
          tpu.vector_store %arg7[%swap3A_102, %swap3A_103], %mul3A_101 {strides = array<i32>} : memref<128x128xf32, #tpu.memory_space<vmem>>, vector<16xf32>,
          %get3A_105 = arith.index_cast %add3A_57 : i32 to index
          %get3A_106 = arith.constant 112 : index
          %get3A_107 = tpu.vector_load %arg7[%get3A_105, %get3A_106] {strides = array<i32>} : memref<128x128xf32, #tpu.memory_space<vmem>>, vector<16xf32>,
          %mul3A_108 = arith.mulf %get3A_107, %gather3A : vector<16xf32>
          %swap3A_109 = arith.index_cast %add3A_57 : i32 to index
          %swap3A_110 = arith.constant 112 : index
          %swap3A_111 = tpu.vector_load %arg7[%swap3A_109, %swap3A_110] {strides = array<i32>} : memref<128x128xf32, #tpu.memory_space<vmem>>, vector<16xf32>,
          tpu.vector_store %arg7[%swap3A_109, %swap3A_110], %mul3A_108 {strides = array<i32>} : memref<128x128xf32, #tpu.memory_space<vmem>>, vector<16xf32>,
        }
        %scan3A_52 = arith.constant 128 : i32
        "tpu.region"() ({
          %run_scoped3A = tpu.sem_alloc : memref<!tpu.dma_semaphore, #tpu.memory_space<semaphore_mem>>
          %dma_start3A_53 = arith.constant 0 : i32
          %dma_start3A_54 = arith.constant 0 : i32
          %dma_start3A_55 = tpu.memref_slice %arg11[%dma_start3A_53, %dma_start3A_54] : memref<10000x128xf32, #tpu.memory_space<vmem_shared>> -> memref<10000x128xf32, #tpu.memory_space<vmem_shared>>
          tpu.enqueue_indirect_dma source(%arg7 : memref<128x128xf32, #tpu.memory_space<vmem>>) target(%dma_start3A_55 : memref<10000x128xf32, #tpu.memory_space<vmem_shared>>) offsets(%arg9 : memref<128xi32, #tpu.memory_space<vmem>>) semaphore(%run_scoped3A : memref<!tpu.dma_semaphore, #tpu.memory_space<semaphore_mem>>) {add = true}
          %dma_wait3A_56 = arith.constant 0 : i32
          %dma_wait3A_57 = arith.constant 0 : i32
          %dma_wait3A_58 = tpu.memref_slice %arg11[%dma_wait3A_56, %dma_wait3A_57] : memref<10000x128xf32, #tpu.memory_space<vmem_shared>> -> memref<10000x128xf32, #tpu.memory_space<vmem_shared>>
          tpu.wait_indirect_dma semaphore(%run_scoped3A : memref<!tpu.dma_semaphore, #tpu.memory_space<semaphore_mem>>) src(%arg7 : memref<128x128xf32, #tpu.memory_space<vmem>>) dst(%dma_wait3A_58 : memref<10000x128xf32, #tpu.memory_space<vmem_shared>>)
          tpu.yield
        }) : () -> ()
      } else {
      }
    }
    %scan3A_23 = arith.constant 79 : i32
    %barrier3A_24 = arith.constant 0 : index
    tpu.barrier barrier_id(%barrier3A_24)
    "tpu.region"() ({
      %run_scoped3A = tpu.sem_alloc : memref<!tpu.dma_semaphore, #tpu.memory_space<semaphore_mem>>
      %dma_start3A = arith.constant 0 : i32
      %dma_start3A_30 = tpu.memref_slice %arg6[%arg0, %mul3A_6, %dma_start3A] : memref<2x10000x128xf32, #tpu.memory_space<hbm>> -> memref<1x624x128xf32, #tpu.memory_space<hbm>>
      %dma_start3A_31 = tpu.memref_squeeze %dma_start3A_30 : memref<1x624x128xf32, #tpu.memory_space<hbm>> -> memref<624x128xf32, #tpu.memory_space<hbm>>
      %dma_start3A_32 = arith.constant 0 : i32
      %dma_start3A_33 = tpu.memref_slice %arg11[%mul3A_6, %dma_start3A_32] : memref<10000x128xf32, #tpu.memory_space<vmem_shared>> -> memref<624x128xf32, #tpu.memory_space<vmem_shared>>
      tpu.enqueue_dma source(%dma_start3A_33 : memref<624x128xf32, #tpu.memory_space<vmem_shared>>) target(%dma_start3A_31 : memref<624x128xf32, #tpu.memory_space<hbm>>) target_semaphore(%run_scoped3A : memref<!tpu.dma_semaphore, #tpu.memory_space<semaphore_mem>>)
      %dma_wait3A = arith.constant 0 : i32
      %dma_wait3A_34 = tpu.memref_slice %arg6[%arg0, %mul3A_6, %dma_wait3A] : memref<2x10000x128xf32, #tpu.memory_space<hbm>> -> memref<1x624x128xf32, #tpu.memory_space<hbm>>
      %dma_wait3A_35 = tpu.memref_squeeze %dma_wait3A_34 : memref<1x624x128xf32, #tpu.memory_space<hbm>> -> memref<624x128xf32, #tpu.memory_space<hbm>>
      %dma_wait3A_36 = arith.constant 0 : i32
      %dma_wait3A_37 = tpu.memref_slice %arg11[%mul3A_6, %dma_wait3A_36] : memref<10000x128xf32, #tpu.memory_space<vmem_shared>> -> memref<624x128xf32, #tpu.memory_space<vmem_shared>>
      tpu.wait_dma2 semaphore(%run_scoped3A : memref<!tpu.dma_semaphore, #tpu.memory_space<semaphore_mem>>) src(%dma_wait3A_37 : memref<624x128xf32, #tpu.memory_space<vmem_shared>>) dst(%dma_wait3A_35 : memref<624x128xf32, #tpu.memory_space<hbm>>)
      tpu.yield
    }) : () -> ()
    %eq3A_25 = arith.constant 15 : i32
    %eq3A_26 = arith.cmpi eq, %arg1, %eq3A_25 : i32
    %convert_element_type3A_27 = arith.extui %eq3A_26 : i1 to i32
    %cond3A_28 = arith.constant 0 : i32
    %cond3A_29 = arith.cmpi ne, %convert_element_type3A_27, %cond3A_28 : i32
    scf.if %cond3A_29 {
      "tpu.region"() ({
        %run_scoped3A = tpu.sem_alloc : memref<!tpu.dma_semaphore, #tpu.memory_space<semaphore_mem>>
        %dma_start3A = arith.constant 9984 : i32
        %dma_start3A_30 = arith.constant 0 : i32
        %dma_start3A_31 = tpu.memref_slice %arg6[%arg0, %dma_start3A, %dma_start3A_30] : memref<2x10000x128xf32, #tpu.memory_space<hbm>> -> memref<1x16x128xf32, #tpu.memory_space<hbm>>
        %dma_start3A_32 = tpu.memref_squeeze %dma_start3A_31 : memref<1x16x128xf32, #tpu.memory_space<hbm>> -> memref<16x128xf32, #tpu.memory_space<hbm>>
        %dma_start3A_33 = arith.constant 9984 : i32
        %dma_start3A_34 = arith.constant 0 : i32
        %dma_start3A_35 = tpu.memref_slice %arg11[%dma_start3A_33, %dma_start3A_34] : memref<10000x128xf32, #tpu.memory_space<vmem_shared>> -> memref<16x128xf32, #tpu.memory_space<vmem_shared>>
        tpu.enqueue_dma source(%dma_start3A_35 : memref<16x128xf32, #tpu.memory_space<vmem_shared>>) target(%dma_start3A_32 : memref<16x128xf32, #tpu.memory_space<hbm>>) target_semaphore(%run_scoped3A : memref<!tpu.dma_semaphore, #tpu.memory_space<semaphore_mem>>)
        %dma_wait3A = arith.constant 9984 : i32
        %dma_wait3A_36 = arith.constant 0 : i32
        %dma_wait3A_37 = tpu.memref_slice %arg6[%arg0, %dma_wait3A, %dma_wait3A_36] : memref<2x10000x128xf32, #tpu.memory_space<hbm>> -> memref<1x16x128xf32, #tpu.memory_space<hbm>>
        %dma_wait3A_38 = tpu.memref_squeeze %dma_wait3A_37 : memref<1x16x128xf32, #tpu.memory_space<hbm>> -> memref<16x128xf32, #tpu.memory_space<hbm>>
        %dma_wait3A_39 = arith.constant 9984 : i32
        %dma_wait3A_40 = arith.constant 0 : i32
        %dma_wait3A_41 = tpu.memref_slice %arg11[%dma_wait3A_39, %dma_wait3A_40] : memref<10000x128xf32, #tpu.memory_space<vmem_shared>> -> memref<16x128xf32, #tpu.memory_space<vmem_shared>>
        tpu.wait_dma2 semaphore(%run_scoped3A : memref<!tpu.dma_semaphore, #tpu.memory_space<semaphore_mem>>) src(%dma_wait3A_41 : memref<16x128xf32, #tpu.memory_space<vmem_shared>>) dst(%dma_wait3A_38 : memref<16x128xf32, #tpu.memory_space<hbm>>)
        tpu.yield
      }) : () -> ()
    } else {
    }
    return
  }
}

module attributes {stable_mosaic.version = 14 : i64} {
  func.func @body(%arg0: i32, %arg1: memref<2000x128xf32, #tpu.memory_space<vmem>>, %arg2: memref<128x128xf32, #tpu.memory_space<vmem>>, %arg3: memref<2000x128xf32, #tpu.memory_space<vmem>>) attributes {dimension_semantics = [#tpu.dimension_semantics<arbitrary>], iteration_bounds = array<i64: 5>, scalar_prefetch = 0 : i64, scratch_operands = 0 : i64, tpu.core_type = #tpu.core_type<tc>, window_params = [{transform_indices = @transform_0, window_bounds = array<i64: 2000, 128>}, {pipeline_mode = #tpu.pipeline_mode<synchronous>, transform_indices = @transform_1, window_bounds = array<i64: 128, 128>}, {transform_indices = @transform_2, window_bounds = array<i64: 2000, 128>}]} {
    %get3A = arith.constant 0 : index
    %get3A_0 = arith.constant 0 : index
    %get3A_1 = vector.load %arg1[%get3A, %get3A_0] : memref<2000x128xf32, #tpu.memory_space<vmem>>, vector<2000x128xf32>
    %get3A_2 = arith.constant 0 : index
    %get3A_3 = arith.constant 0 : index
    %get3A_4 = vector.load %arg2[%get3A_2, %get3A_3] : memref<128x128xf32, #tpu.memory_space<vmem>>, vector<128x128xf32>
    %dot_general3A = arith.constant dense<0.000000e+00> : vector<2000x128xf32>
    %dot_general3A_5 = tpu.matmul %get3A_1, %get3A_4, %dot_general3A {dimension_numbers = #tpu.dot_dimension_numbers<[1], [0], [0], [1], [0, 0, 1, 1], [], []>, transpose_lhs_hint = false} : vector<2000x128xf32>, vector<128x128xf32>, vector<2000x128xf32> -> vector<2000x128xf32>
    %swap3A = arith.constant 0 : index
    %swap3A_6 = arith.constant 0 : index
    %swap3A_7 = vector.load %arg3[%swap3A, %swap3A_6] : memref<2000x128xf32, #tpu.memory_space<vmem>>, vector<2000x128xf32>
    tpu.vector_store %arg3[%swap3A, %swap3A_6], %dot_general3A_5 {strides = array<i32>} : memref<2000x128xf32, #tpu.memory_space<vmem>>, vector<2000x128xf32>,
    return
  }
  func.func @transform_0(%arg0: i32) -> (i32, i32) {
    %c0_i32 = arith.constant 0 : i32
    %c0_i32_0 = arith.constant 0 : i32
    return %arg0, %c0_i32 : i32, i32
  }
  func.func @transform_1(%arg0: i32) -> (i32, i32) {
    %c0_i32 = arith.constant 0 : i32
    %c0_i32_0 = arith.constant 0 : i32
    %c0_i32_1 = arith.constant 0 : i32
    return %c0_i32, %c0_i32_0 : i32, i32
  }
  func.func @transform_2(%arg0: i32) -> (i32, i32) {
    %c0_i32 = arith.constant 0 : i32
    %c0_i32_0 = arith.constant 0 : i32
    return %arg0, %c0_i32 : i32, i32
  }
}

module attributes {stable_mosaic.version = 14 : i64} {
  func.func @body(%arg0: i32, %arg1: memref<2x2000x128xf32, #tpu.memory_space<vmem>>, %arg2: memref<1x128xf32, #tpu.memory_space<vmem>>, %arg3: memref<128x128xf32, #tpu.memory_space<vmem>>, %arg4: memref<2000x128xf32, #tpu.memory_space<vmem>>) attributes {dimension_semantics = [#tpu.dimension_semantics<arbitrary>], iteration_bounds = array<i64: 5>, scalar_prefetch = 0 : i64, scratch_operands = 0 : i64, tpu.core_type = #tpu.core_type<tc>, window_params = [{transform_indices = @transform_0, window_bounds = array<i64: 2, 2000, 128>}, {pipeline_mode = #tpu.pipeline_mode<synchronous>, transform_indices = @transform_1, window_bounds = array<i64: 1, 128>}, {pipeline_mode = #tpu.pipeline_mode<synchronous>, transform_indices = @transform_2, window_bounds = array<i64: 128, 128>}, {transform_indices = @transform_3, window_bounds = array<i64: 2000, 128>}]} {
    %get3A = arith.constant 0 : index
    %get3A_0 = arith.constant 0 : index
    %get3A_1 = arith.constant 0 : index
    %get3A_2 = vector.load %arg1[%get3A, %get3A_0, %get3A_1] : memref<2x2000x128xf32, #tpu.memory_space<vmem>>, vector<1x2000x128xf32>
    %get3A_3 = vector.shape_cast %get3A_2 : vector<1x2000x128xf32> to vector<2000x128xf32>
    %get3A_4 = arith.constant 1 : index
    %get3A_5 = arith.constant 0 : index
    %get3A_6 = arith.constant 0 : index
    %get3A_7 = vector.load %arg1[%get3A_4, %get3A_5, %get3A_6] : memref<2x2000x128xf32, #tpu.memory_space<vmem>>, vector<1x2000x128xf32>
    %get3A_8 = vector.shape_cast %get3A_7 : vector<1x2000x128xf32> to vector<2000x128xf32>
    %add3A = arith.addf %get3A_3, %get3A_8 : vector<2000x128xf32>
    %get3A_9 = arith.constant 0 : index
    %get3A_10 = arith.constant 0 : index
    %get3A_11 = vector.load %arg2[%get3A_9, %get3A_10] : memref<1x128xf32, #tpu.memory_space<vmem>>, vector<1x128xf32>
    %add3A_12 = vector.broadcast %get3A_11 : vector<1x128xf32> to vector<2000x128xf32>
    %add3A_13 = arith.addf %add3A, %add3A_12 : vector<2000x128xf32>
    %max3A = arith.constant 0.000000e+00 : f32
    %max3A_14 = vector.broadcast %max3A : f32 to vector<2000x128xf32>
    %max3A_15 = arith.maximumf %add3A_13, %max3A_14 : vector<2000x128xf32>
    %get3A_16 = arith.constant 0 : index
    %get3A_17 = arith.constant 0 : index
    %get3A_18 = vector.load %arg3[%get3A_16, %get3A_17] : memref<128x128xf32, #tpu.memory_space<vmem>>, vector<128x128xf32>
    %dot_general3A = arith.constant dense<0.000000e+00> : vector<2000x128xf32>
    %dot_general3A_19 = tpu.matmul %max3A_15, %get3A_18, %dot_general3A {dimension_numbers = #tpu.dot_dimension_numbers<[1], [0], [0], [1], [0, 0, 1, 1], [], []>, transpose_lhs_hint = false} : vector<2000x128xf32>, vector<128x128xf32>, vector<2000x128xf32> -> vector<2000x128xf32>
    %swap3A = arith.constant 0 : index
    %swap3A_20 = arith.constant 0 : index
    %swap3A_21 = vector.load %arg4[%swap3A, %swap3A_20] : memref<2000x128xf32, #tpu.memory_space<vmem>>, vector<2000x128xf32>
    tpu.vector_store %arg4[%swap3A, %swap3A_20], %dot_general3A_19 {strides = array<i32>} : memref<2000x128xf32, #tpu.memory_space<vmem>>, vector<2000x128xf32>,
    return
  }
  func.func @transform_0(%arg0: i32) -> (i32, i32, i32) {
    %c0_i32 = arith.constant 0 : i32
    %c0_i32_0 = arith.constant 0 : i32
    %c0_i32_1 = arith.constant 0 : i32
    return %c0_i32, %arg0, %c0_i32_0 : i32, i32, i32
  }
  func.func @transform_1(%arg0: i32) -> (i32, i32) {
    %c0_i32 = arith.constant 0 : i32
    %c0_i32_0 = arith.constant 0 : i32
    %c0_i32_1 = arith.constant 0 : i32
    return %c0_i32, %c0_i32_0 : i32, i32
  }
  func.func @transform_2(%arg0: i32) -> (i32, i32) {
    %c0_i32 = arith.constant 0 : i32
    %c0_i32_0 = arith.constant 0 : i32
    %c0_i32_1 = arith.constant 0 : i32
    return %c0_i32, %c0_i32_0 : i32, i32
  }
  func.func @transform_3(%arg0: i32) -> (i32, i32) {
    %c0_i32 = arith.constant 0 : i32
    %c0_i32_0 = arith.constant 0 : i32
    return %arg0, %c0_i32 : i32, i32
  }
}

module attributes {stable_mosaic.version = 14 : i64} {
  func.func @body(%arg0: i32, %arg1: memref<2x2000x128xf32, #tpu.memory_space<vmem>>, %arg2: memref<1x128xf32, #tpu.memory_space<vmem>>, %arg3: memref<128x40xf32, #tpu.memory_space<vmem>>, %arg4: memref<1x40xf32, #tpu.memory_space<vmem>>, %arg5: memref<2000x40xf32, #tpu.memory_space<vmem>>) attributes {dimension_semantics = [#tpu.dimension_semantics<arbitrary>], iteration_bounds = array<i64: 5>, scalar_prefetch = 0 : i64, scratch_operands = 0 : i64, tpu.core_type = #tpu.core_type<tc>, window_params = [{transform_indices = @transform_0, window_bounds = array<i64: 2, 2000, 128>}, {pipeline_mode = #tpu.pipeline_mode<synchronous>, transform_indices = @transform_1, window_bounds = array<i64: 1, 128>}, {pipeline_mode = #tpu.pipeline_mode<synchronous>, transform_indices = @transform_2, window_bounds = array<i64: 128, 40>}, {pipeline_mode = #tpu.pipeline_mode<synchronous>, transform_indices = @transform_3, window_bounds = array<i64: 1, 40>}, {transform_indices = @transform_4, window_bounds = array<i64: 2000, 40>}]} {
    %get3A = arith.constant 0 : index
    %get3A_0 = arith.constant 0 : index
    %get3A_1 = arith.constant 0 : index
    %get3A_2 = vector.load %arg1[%get3A, %get3A_0, %get3A_1] : memref<2x2000x128xf32, #tpu.memory_space<vmem>>, vector<1x2000x128xf32>
    %get3A_3 = vector.shape_cast %get3A_2 : vector<1x2000x128xf32> to vector<2000x128xf32>
    %get3A_4 = arith.constant 1 : index
    %get3A_5 = arith.constant 0 : index
    %get3A_6 = arith.constant 0 : index
    %get3A_7 = vector.load %arg1[%get3A_4, %get3A_5, %get3A_6] : memref<2x2000x128xf32, #tpu.memory_space<vmem>>, vector<1x2000x128xf32>
    %get3A_8 = vector.shape_cast %get3A_7 : vector<1x2000x128xf32> to vector<2000x128xf32>
    %add3A = arith.addf %get3A_3, %get3A_8 : vector<2000x128xf32>
    %get3A_9 = arith.constant 0 : index
    %get3A_10 = arith.constant 0 : index
    %get3A_11 = vector.load %arg2[%get3A_9, %get3A_10] : memref<1x128xf32, #tpu.memory_space<vmem>>, vector<1x128xf32>
    %add3A_12 = vector.broadcast %get3A_11 : vector<1x128xf32> to vector<2000x128xf32>
    %add3A_13 = arith.addf %add3A, %add3A_12 : vector<2000x128xf32>
    %max3A = arith.constant 0.000000e+00 : f32
    %max3A_14 = vector.broadcast %max3A : f32 to vector<2000x128xf32>
    %max3A_15 = arith.maximumf %add3A_13, %max3A_14 : vector<2000x128xf32>
    %get3A_16 = arith.constant 0 : index
    %get3A_17 = arith.constant 0 : index
    %get3A_18 = vector.load %arg3[%get3A_16, %get3A_17] : memref<128x40xf32, #tpu.memory_space<vmem>>, vector<128x40xf32>
    %dot_general3A = arith.constant dense<0.000000e+00> : vector<2000x40xf32>
    %dot_general3A_19 = tpu.matmul %max3A_15, %get3A_18, %dot_general3A {dimension_numbers = #tpu.dot_dimension_numbers<[1], [0], [0], [1], [0, 0, 1, 1], [], []>, transpose_lhs_hint = false} : vector<2000x128xf32>, vector<128x40xf32>, vector<2000x40xf32> -> vector<2000x40xf32>
    %get3A_20 = arith.constant 0 : index
    %get3A_21 = arith.constant 0 : index
    %get3A_22 = vector.load %arg4[%get3A_20, %get3A_21] : memref<1x40xf32, #tpu.memory_space<vmem>>, vector<1x40xf32>
    %add3A_23 = vector.broadcast %get3A_22 : vector<1x40xf32> to vector<2000x40xf32>
    %add3A_24 = arith.addf %dot_general3A_19, %add3A_23 : vector<2000x40xf32>
    %reduce_max3A = arith.constant dense<0xFF800000> : vector<2000xf32>
    %reduce_max3A_25 = vector.multi_reduction <maximumf>, %add3A_24, %reduce_max3A [1] : vector<2000x40xf32> to vector<2000xf32>
    %broadcast_in_dim3A = vector.shape_cast %reduce_max3A_25 : vector<2000xf32> to vector<2000x1xf32>
    %sub3A = vector.broadcast %broadcast_in_dim3A : vector<2000x1xf32> to vector<2000x40xf32>
    %sub3A_26 = arith.subf %add3A_24, %sub3A : vector<2000x40xf32>
    %exp3A = math.exp %sub3A_26 : vector<2000x40xf32>
    %reduce_sum3A = arith.constant dense<0.000000e+00> : vector<2000xf32>
    %reduce_sum3A_27 = vector.multi_reduction <add>, %exp3A, %reduce_sum3A [1] : vector<2000x40xf32> to vector<2000xf32>
    %broadcast_in_dim3A_28 = vector.shape_cast %reduce_sum3A_27 : vector<2000xf32> to vector<2000x1xf32>
    %log3A = math.log %broadcast_in_dim3A_28 : vector<2000x1xf32>
    %sub3A_29 = vector.broadcast %log3A : vector<2000x1xf32> to vector<2000x40xf32>
    %sub3A_30 = arith.subf %sub3A_26, %sub3A_29 : vector<2000x40xf32>
    %swap3A = arith.constant 0 : index
    %swap3A_31 = arith.constant 0 : index
    %swap3A_32 = vector.load %arg5[%swap3A, %swap3A_31] : memref<2000x40xf32, #tpu.memory_space<vmem>>, vector<2000x40xf32>
    tpu.vector_store %arg5[%swap3A, %swap3A_31], %sub3A_30 {strides = array<i32>} : memref<2000x40xf32, #tpu.memory_space<vmem>>, vector<2000x40xf32>,
    return
  }
  func.func @transform_0(%arg0: i32) -> (i32, i32, i32) {
    %c0_i32 = arith.constant 0 : i32
    %c0_i32_0 = arith.constant 0 : i32
    %c0_i32_1 = arith.constant 0 : i32
    return %c0_i32, %arg0, %c0_i32_0 : i32, i32, i32
  }
  func.func @transform_1(%arg0: i32) -> (i32, i32) {
    %c0_i32 = arith.constant 0 : i32
    %c0_i32_0 = arith.constant 0 : i32
    %c0_i32_1 = arith.constant 0 : i32
    return %c0_i32, %c0_i32_0 : i32, i32
  }
  func.func @transform_2(%arg0: i32) -> (i32, i32) {
    %c0_i32 = arith.constant 0 : i32
    %c0_i32_0 = arith.constant 0 : i32
    %c0_i32_1 = arith.constant 0 : i32
    return %c0_i32, %c0_i32_0 : i32, i32
  }
  func.func @transform_3(%arg0: i32) -> (i32, i32) {
    %c0_i32 = arith.constant 0 : i32
    %c0_i32_0 = arith.constant 0 : i32
    %c0_i32_1 = arith.constant 0 : i32
    return %c0_i32, %c0_i32_0 : i32, i32
  }
  func.func @transform_4(%arg0: i32) -> (i32, i32) {
    %c0_i32 = arith.constant 0 : i32
    %c0_i32_0 = arith.constant 0 : i32
    return %arg0, %c0_i32 : i32, i32
  }
}

</mosaic_0001>

<sc_bundles>
// kernel: kernel.10.cloned.1.call-start
scs
__scs_entry_jumppad:
0x0: {  	(pc) =	sbr.rel $0x88, $3  }
0x1: {  	(tag) =	ssettag $0x0;
	lr =	simm.s32 $0x1  }
0x2: {  	[smem:$0x3F98] =	sst lr;
	_ =	strace $0xD0000000  }
0x3: {  	_ = 	snop  }
0x4: {  	_ = 	snop  }
0x5: {  	_ = 	snop  }
0x6: {  	_ = 	snop  }
0x7: {  	_ = 	snop  }
__scs_overlays_trampoline_lowered:
0x8: {  	[smem:$0x3FA7] =	sst s0  }
0x9: {  	[smem:$0x3FA8] =	sst s1  }
0xa: {  	[smem:$0x3FA9] =	sst s2  }
0xb: {  	[smem:$0x3FAA] =	sst s3  }
0xc: {  	[smem:$0x3FAB] =	sst s4  }
0xd: {  	[smem:$0x3FAC] =	sst s5  }
0xe: {  	[smem:$0x3FAD] =	sst s6  }
0xf: {  	[smem:$0x3FAE] =	sst s7  }
0x10: {  	[smem:$0x3FAF] =	sst s8  }
0x11: {  	[smem:$0x3FB0] =	sst s9;
	s0 =	simm.s32 @!p0 $0x0  }
0x12: {  	s1 =	sld [smem:$0x3F96];
	s0 =	simm.s32 @p0 $0x1  }
0x13: {  	[smem:$0x3FB1] =	sst s0;
	s0 =	simm.s32 @!p1 $0x0  }
0x14: {  	s2 =	sld [smem:$0x3F95];
	s0 =	simm.s32 @p1 $0x1  }
0x15: {  	[smem:$0x3FB2] =	sst s0;
	s0 =	simm.s32 @!p2 $0x0  }
0x16: {  	s3 =	sld [smem:$0x3FDB];
	s0 =	simm.s32 @p2 $0x1  }
0x17: {  	s4 =	simm.s32 $0x1BF5;
	[smem:$0x3FB4] =	sst s0  }
0x18: {  	s0 =	sld [smem:$0x3F97];
	_ =	swait.ge [sflag:s4], $0x0  }
0x19: {  	s7 =	sld [smem:$0x3F98]  }
0x1a: {  	s8 =	sadd.s32 $0xFFFFE003, lr  }
0x1b: {  	s9 =	sadd.s32 $0xFFFFFEF7, lr;
	s5 =	simm.s32 $0xFFFFFFFF;
	p2 =	slt.u32 s8, $0xFFFFF086  }
0x1c: {  	p1 =	slt.u32 s9, $0xF7A;
	s5 =	simm.s32 @!p2 $0x0  }
0x1d: {  	s5 =	simm.s32 @p1 $0x1;
	p0 =	seq.s32 s7, s2  }
0x1e: {  	s7 =	smul.u32 @!p0 $0xF7A, s2;
	p2 =	seq.s32 @!p0 s5, $0x0  }
0x1f: {  	s9 =	smul.u32 $0xF7A, s1;
	s8 =	simm.s32 @!p0 $0x1BF5;
	p2 =	por !p2, p0  }
0x20: {  	[sflag:s8] =	ssyncset.s32 @!p0 $0xFFFFF086;
	s6 =	sadd.s32 @!p0 s3, s7;
	s7 =	simm.s32 @!p0 $0x108  }
0x21: {  	s3 =	sadd.s32 s3, s9;
	s6 =	sadd.s32 @!p0 $0x88, s6;
	s7 =	simm.s32 @p2 $0x1082  }
0x22: {  	[simem:s7], [sflag:s8] =	dma.local @!p0 [hbm:s6], $0xF7A  }
0x23: {  	s9 =	sor.u32 $0xD0000000, s2;
	s6 =	simm.s32 $0x108;
	_ =	swait.ge @!p0 [sflag:s8], $0x0  }
0x24: {  	s3 =	sadd.s32 $0x88, s3;
	s6 =	simm.s32 @!p1 $0x1082;
	[sflag:s4] =	ssyncset.s32 $0xFFFFF086  }
0x25: {  	[simem:s6], [sflag:s4] =	dma.local [hbm:s3], $0xF7A  }
0x26: {  	[smem:$0x3F98] =	sst s1;
	(tag) =	ssettag s2;
	_ =	strace s9  }
0x27: {  	s1 =	sld [smem:$0x3FA8]  }
0x28: {  	s2 =	sld [smem:$0x3FA9]  }
0x29: {  	s4 =	sld [smem:$0x3FAB]  }
0x2a: {  	p0 =	seq.s32 s5, $0x0;
	s5 =	sld [smem:$0x3FAC]  }
0x2b: {  	s6 =	sld [smem:$0x3FAD]  }
0x2c: {  	s7 =	sld [smem:$0x3FAE]  }
0x2d: {  	s3 =	simm.s32 $0x108;
	s8 =	sld [smem:$0x3FAF]  }
0x2e: {  	s3 =	simm.s32 @!p0 $0x1082;
	s9 =	sld [smem:$0x3FB0]  }
0x2f: {  	lr =	sadd.s32 s0, s3;
	s0 =	sld [smem:$0x3FA7]  }
0x30: {  	s3 =	sld [smem:$0x3FAA]  }
0x31: {  	[smem:$0x3FB3] =	sst s10  }
0x32: {  	s10 =	sld [smem:$0x3FB1];
	_ =	sdelay $0x3  }
0x33: {  	p0 =	seq.s32 s10, $0x1;
	s10 =	sld [smem:$0x3FB3];
	_ =	sdelay $0x3  }
0x34: {  	[smem:$0x3FB3] =	sst s10  }
0x35: {  	s10 =	sld [smem:$0x3FB2];
	_ =	sdelay $0x3  }
0x36: {  	p1 =	seq.s32 s10, $0x1;
	s10 =	sld [smem:$0x3FB3];
	_ =	sdelay $0x3  }
0x37: {  	[smem:$0x3FB3] =	sst s10  }
0x38: {  	s10 =	sld [smem:$0x3FB4]  }
0x39: {  	_ = 	snop;
	(pc) =	sbr.ind lr, $3  }
0x3a: {  	_ = 	snop  }
0x3b: {  	_ = 	snop  }
0x3c: {  	p2 =	seq.s32 s10, $0x1;
	s10 =	sld [smem:$0x3FB3]  }
0x3d: {  	_ =	shalt  }
0x3e: {  	_ =	shalt  }
0x3f: {  	_ =	shalt  }
0x40: {  	_ =	shalt  }
0x41: {  	_ =	shalt  }
0x42: {  	_ =	shalt  }
0x43: {  	_ =	shalt  }
0x44: {  	_ =	shalt  }
0x45: {  	_ =	shalt  }
0x46: {  	_ =	shalt  }
0x47: {  	_ =	shalt  }
0x48: {  	_ =	shalt  }
0x49: {  	_ =	shalt  }
0x4a: {  	_ =	shalt  }
0x4b: {  	_ =	shalt  }
0x4c: {  	_ =	shalt  }
0x4d: {  	_ =	shalt  }
0x4e: {  	_ =	shalt  }
0x4f: {  	_ =	shalt  }
0x50: {  	_ =	shalt  }
0x51: {  	_ =	shalt  }
0x52: {  	_ =	shalt  }
0x53: {  	_ =	shalt  }
0x54: {  	_ =	shalt  }
0x55: {  	_ =	shalt  }
0x56: {  	_ =	shalt  }
0x57: {  	_ =	shalt  }
0x58: {  	_ =	shalt  }
0x59: {  	_ =	shalt  }
0x5a: {  	_ =	shalt  }
0x5b: {  	_ =	shalt  }
0x5c: {  	_ =	shalt  }
0x5d: {  	_ =	shalt  }
0x5e: {  	_ =	shalt  }
0x5f: {  	_ =	shalt  }
0x60: {  	_ =	shalt  }
0x61: {  	_ =	shalt  }
0x62: {  	_ =	shalt  }
0x63: {  	_ =	shalt  }
0x64: {  	_ =	shalt  }
0x65: {  	_ =	shalt  }
0x66: {  	_ =	shalt  }
0x67: {  	_ =	shalt  }
0x68: {  	_ =	shalt  }
0x69: {  	_ =	shalt  }
0x6a: {  	_ =	shalt  }
0x6b: {  	_ =	shalt  }
0x6c: {  	_ =	shalt  }
0x6d: {  	_ =	shalt  }
0x6e: {  	_ =	shalt  }
0x6f: {  	_ =	shalt  }
0x70: {  	_ =	shalt  }
0x71: {  	_ =	shalt  }
0x72: {  	_ =	shalt  }
0x73: {  	_ =	shalt  }
0x74: {  	_ =	shalt  }
0x75: {  	_ =	shalt  }
0x76: {  	_ =	shalt  }
0x77: {  	_ =	shalt  }
0x78: {  	_ =	shalt  }
0x79: {  	_ =	shalt  }
0x7a: {  	_ =	shalt  }
0x7b: {  	_ =	shalt  }
0x7c: {  	_ =	shalt  }
0x7d: {  	_ =	shalt  }
0x7e: {  	_ =	shalt  }
0x7f: {  	_ =	shalt  }
0x80: {  	_ =	shalt  }
0x81: {  	_ =	shalt  }
0x82: {  	_ =	shalt  }
0x83: {  	_ =	shalt  }
0x84: {  	_ =	shalt  }
0x85: {  	_ =	shalt  }
0x86: {  	_ =	shalt  }
0x87: {  	_ =	shalt  }
.Lfunc_end0:
.L_simem_size_0:
called_computation.1_lowered:
.L_overlay_start_0:
0x88: {  	s2 =	sld [smem:$0x3FD9]  }
0x89: {  	s3 =	sld [smem:$0x3FFE];
	_ =	sdelay $0x1  }
0x8a: {  	s1 =	srdreg.scid  }
0x8b: {  	s0 =	sand.u32 $0x1, s1  }
0x8c: {  	s17 =	sshll.u32 s0, $0xA;
	s2 =	sadd.s32 s3, s2  }
0x8d: {  	s2 =	sadd.s32 s2, s17  }
0x8e: {  	[smem:$0x3FBF] =	sst s2  }
0x8f: {  	_ = 	snop  }
0x90: {  	s2 =	sld [smem:$0x3FC7]  }
0x91: {  	s18 =	sld [smem:$0x3FD0];
	(tm) =	ssettm $0x1  }
0x92: {  	s4 =	sld [smem:$0x3FFB];
	_ =	sdelay $0x3  }
0x93: {  	_ =	strace s4  }
0x94: {  	s4 =	sld [smem:$0x3FFC];
	_ =	sdelay $0x3  }
0x95: {  	_ =	strace s4  }
0x96: {  	s4 =	sld [smem:$0x3FFD];
	_ =	sdelay $0x3  }
0x97: {  	_ =	strace s4  }
0x98: {  	_ =	strace $0x8FFFFFFF  }
0x99: {  	s19 =	sld [smem:$0x3FDB];
	_ =	sdelay $0x1  }
0x9a: {  	s5 =	simm.s32 $_scs_section_size  }
0x9b: {  	s6 =	simm.s32 $_size__tile_overlayer_lowered;
	s7 =	simm.s32 $_tile_overlayer_lowered  }
0x9c: {  	s22 =	simm.s32 $0x1BFF;
	s21 =	sshll.u32 s7, $0x1;
	s4 =	sadd.s32 s5, s19  }
0x9d: {  	s8 =	simm.s32 $0x0;
	s20 =	sshll.u32 s6, $0x1;
	s6 =	sadd.s32 s21, s4  }
0x9e: {  	[timem:s8], [sflag:s22] =	dma.local [hbm:s6], s20  }
0x9f: {  	_ =	swait.ge [sflag:s22], s20  }
0xa0: {  	s5 =	ssub.s32 $0x0, s20;
	[sflag:s22] =	ssyncset.done $0x0  }
0xa1: {  	[sflag:s22] =	ssyncadd.s32 s5;
	_ =	sdelay $0x1  }
0xa2: {  	s23 =	simm.s32 $0x1B8B  }
0xa3: {  	_ =	swait.ge [sflag:s23], $0x1  }
0xa4: {  	[sflag:s23] =	ssyncset.done $0x0  }
0xa5: {  	s25 =	simm.s32 $0x1B8E;
	s24 =	sld [smem:$0x3FFE];
	[sflag:s23] =	ssyncadd.s32 $0xFFFFFFFF  }
0xa6: {  	s26 =	simm.s32 $execute0_lowered;
	[smem:$0x3FD2] =	sst s25  }
0xa7: {  	s6 =	sshll.u32 s26, $0x1;
	_ =	strace $0x80000049;
	[dreg:$0x1] =	wrdreg $0xFFFFFFFF  }
0xa8: {  	s28 =	simm.s32 $_size_execute0_lowered;
	s4 =	sadd.s32 s4, s6;
	[dreg:$0x0] =	wrdreg $0x0  }
0xa9: {  	s6 =	sshll.u32 s28, $0x1;
	[dreg:$0x2] =	wrdreg s4  }
0xaa: {  	[dreg:$0x3] =	wrdreg s6  }
0xab: {  	[dreg:$0x4] =	wrdreg $0xC0  }
0xac: {  	_ =	task [dreg:s8], $0x5FFFF  }
0xad: {  	[dreg:$0x1] =	wrdreg $0xFFFFFFFF  }
0xae: {  	[dreg:$0x0] =	wrdreg $0x60  }
0xaf: {  	[dreg:$0x2] =	wrdreg s24  }
0xb0: {  	[dreg:$0x3] =	wrdreg s18  }
0xb1: {  	[dreg:$0x4] =	wrdreg s2  }
0xb2: {  	[dreg:$0x5] =	wrdreg $0x41800  }
0xb3: {  	[dreg:$0x6] =	wrdreg $0x9  }
0xb4: {  	_ =	task.clear_ibuf [dreg:s8], $0x7FFFF;
	_ =	strace $0x90000049  }
0xb5: {  	s29 =	simm.s32 $0x9;
	_ =	strace $0x8000004B  }
0xb6: {  	_ =	swait.ge [sflag:s29], $0x1  }
0xb7: {  	[sflag:s29] =	ssyncadd.s32 $0xFFFFFFFF  }
0xb8: {  	_ =	strace $0x9000004B  }
0xb9: {  	_ =	sfence  }
0xba: {  	s30 =	sld [smem:$0x0];
	_ =	sdelay $0x2  }
0xbb: {  	s31 =	sshll.u32 s1, $0xD;
	s1 =	sshrl.u32 s1, $0x2  }
0xbc: {  	s3 =	sand.u32 $0x4000, s31;
	s1 =	sadd.s32 s1, s30  }
0xbd: {  	s0 =	sor.u32 s3, s0;
	s1 =	sshll.u32 s1, $0x11  }
0xbe: {  	s0 =	sor.u32 s1, s0  }
0xbf: {  	s0 =	sadd.s32 $0x8F2B, s0  }
0xc0: {  	[sflag:s0] =	ssyncadd.remote.s32 $0x1  }
0xc1: {  	_ =	sfence.sel $0xFFFF  }
0xc2: {  	[dreg:$0x0] =	wrdreg $0xFFFFFFFF;
	(pc) =	sbr.abs _section_cstart, $3  }
0xc3: {  	[dreg:$0x1] =	wrdreg $0xFFFFFFFF  }
0xc4: {  	_ =	task.clear_ibuf [dreg:s8], $0x2FFFF;
	_ =	strace $0x9FFFFFFF  }
0xc5: {  	(tm) =	ssettm $0x7FFFFFFF  }
tec
execute0_lowered:
.L_overlay_start_1:
0x0: {  	(tag) =	ssettag $0x1  }
0x1: {  	s9 =	rddreg [dreg:$0x0]  }
0x2: {  	s1 =	rddreg [dreg:$0x1]  }
0x3: {  	s2 =	rddreg [dreg:$0x2]  }
0x4: {  	s3 =	rddreg [dreg:$0x3];
	s4 =	simm.s32 $0x0  }
0x5: {  	s5 =	srdreg.scid;
	s20 =	simm.s32 $0x4000;
	s21 =	simm.s32 $0x3  }
0x6: {  	s22 =	simm.s32 $0x4080;
	s23 =	simm.s32 $0x4100;
	s24 =	simm.s32 $0x80  }
0x7: {  	s25 =	simm.s32 $0x1;
	s26 =	simm.s32 $0x0;
	[smem:$0x7FF] =	sst s4  }
0x8: {  	s6 =	sand.u32 $0x1, s5;
	s5 =	stileid.u32;
	s7 =	sadd.s32 $0xB400, s9  }
0x9: {  	s8 =	sadd.s32 $0x1600, s9;
	s16 =	sadd.s32 $0x32600, s9;
	s11 =	smul.u32 $0x4E000, s5  }
0xa: {  	_ =	strace $0x8000004A;
	s10 =	ssub.s32 $0x2, s6;
	s15 =	smul.u32 $0x138800, s6  }
0xb: {  	s9 =	sshll.u32 s5, $0x1;
	s17 =	smul.u32 $0x13800, s5;
	s30 =	sshrl.u32 s10, $0x1  }
0xc: {  	p0 =	sne.s32 s5, $0xF;
	s18 =	ssub.s32 s10, s30;
	s31 =	sshrl.u32 s11, $0x2  }
.Ltmp0:
0xd: {  	s17 =	sadd.s32 s17, s15;
	s19 =	sshrl.u32 s15, $0x3;
	(pc) =	sbr.rel .LBB2_1-.Ltmp0, $4  }
0xe: {  	s15 =	sadd.s32 $0x138000, s3;
	s10 =	sadd.s32 s31, s3;
	s17 =	sshrl.u32 s17, $0x3  }
0xf: {  	s19 =	sadd.s32 s16, s19;
	s18 =	smax.u32 s18, $0x1;
	s11 =	sadd.s32 $0x4000, s10  }
0x10: {  	s12 =	sadd.s32 $0x8000, s10;
	s13 =	sadd.s32 $0xC000, s10;
	s14 =	sadd.s32 $0x10000, s10  }
0x11: {  	v0 =	vimm.f32 $0.0e+00;
	s16 =	sadd.s32 s16, s17;
	s17 =	sadd.s32 $0x27000, s19;
	s19 =	simm.s32 $0x2  }
.LBB2_9:
0x12: {  	s0 =	sshll.u32 s5, $0x6  }
0x13: {  	[bflag:$0x0] =	sbarrier.arrive $0xFFFF;
	s28 =	sshrl.u32 s10, $0x3;
	s0 =	sor.u32 $0x1C02, s0  }
0x14: {  	[hbm:s16], [sflag:s0] =	dma.local [spmem:s28], $0x2700  }
0x15: {  	_ =	swait.ge [sflag:s19], $0x2700  }
0x16: {  	s26 =	sadd.s32 $0x1, s26;
	[sflag:s19] =	ssyncset.done $0x0  }
0x17: {  	p1 =	sne.s32 s26, s18;
	s28 =	sshrl.u32 @!p0 s15, $0x3;
	[sflag:s19] =	ssyncadd.s32 $0xFFFFD900  }
0x18: {  	[hbm:s17], [sflag:s0] =	dma.local @!p0 [spmem:s28], $0x100  }
.Ltmp1:
0x19: {  	_ = 	snop;
	(pc) =	sbr.rel @!p1 .LBB2_10-.Ltmp1, $4  }
0x1a: {  	s0 =	simm.s32 @!p0 $0x2  }
0x1b: {  	_ =	swait.ge @!p0 [sflag:s0], $0x100  }
0x1c: {  	[sflag:s0] =	ssyncset.done @!p0 $0x0  }
0x1d: {  	[sflag:s0] =	ssyncadd.s32 @!p0 $0xFFFFFF00  }
.LBB2_1:
0x1e: {  	s28 =	simm.s32 $0x0;
	s29 =	simm.s32 $0x200  }
.LBB2_2:
0x1f: {  	p1 =	sne.s32 s29, $0xFE00;
	[tilespmem:s28+$0x70] =	vst v0  }
0x20: {  	[tilespmem:s28+$0x0] =	vst v0  }
0x21: {  	[tilespmem:s28+$0x10] =	vst v0  }
.Ltmp2:
0x22: {  	[tilespmem:s28+$0x20] =	vst v0;
	(pc) =	sbr.rel @p1 .LBB2_2-.Ltmp2, $4  }
0x23: {  	[tilespmem:s28+$0x30] =	vst v0  }
0x24: {  	[tilespmem:s28+$0x40] =	vst v0  }
0x25: {  	[tilespmem:s28+$0x50] =	vst v0  }
0x26: {  	[tilespmem:s28+$0x60] =	vst v0;
	s28 =	sshra.s32 s29, $0x2;
	s29 =	sadd.s32 $0x200, s29  }
0x27: {  	[tilespmem:s28+$0x70] =	vst v0  }
0x28: {  	[tilespmem:s28+$0x0] =	vst v0  }
0x29: {  	[tilespmem:s28+$0x10] =	vst v0  }
0x2a: {  	[tilespmem:s28+$0x20] =	vst v0  }
0x2b: {  	[tilespmem:s28+$0x30] =	vst v0  }
0x2c: {  	[tilespmem:s28+$0x40] =	vst v0  }
0x2d: {  	[tilespmem:s28+$0x50] =	vst v0  }
0x2e: {  	[tilespmem:s28+$0x60] =	vst v0  }
0x2f: {  	[spmem:s10] =	stream.linear.scatter [tilespmem:s4], [sflag:$0x2], $0x4000, $0x38;
	[tilespmem:$0x17A00] =	vst v63  }
0x30: {  	_ =	swait.ge [sflag:s19], $0x4000  }
0x31: {  	[sflag:s19] =	ssyncset.done $0x0  }
0x32: {  	[sflag:s19] =	ssyncadd.s32 $0xFFFFC000  }
0x33: {  	[spmem:s11] =	stream.linear.scatter [tilespmem:s4], [sflag:$0x2], $0x4000, $0x38;
	[tilespmem:$0x17A00] =	vst v63  }
0x34: {  	_ =	swait.ge [sflag:s19], $0x4000  }
0x35: {  	[sflag:s19] =	ssyncset.done $0x0  }
0x36: {  	[sflag:s19] =	ssyncadd.s32 $0xFFFFC000  }
0x37: {  	[spmem:s12] =	stream.linear.scatter [tilespmem:s4], [sflag:$0x2], $0x4000, $0x38;
	[tilespmem:$0x17A00] =	vst v63  }
0x38: {  	_ =	swait.ge [sflag:s19], $0x4000  }
0x39: {  	[sflag:s19] =	ssyncset.done $0x0  }
0x3a: {  	[sflag:s19] =	ssyncadd.s32 $0xFFFFC000  }
0x3b: {  	[spmem:s13] =	stream.linear.scatter [tilespmem:s4], [sflag:$0x2], $0x4000, $0x38;
	[tilespmem:$0x17A00] =	vst v63  }
0x3c: {  	_ =	swait.ge [sflag:s19], $0x4000  }
0x3d: {  	[sflag:s19] =	ssyncset.done $0x0  }
0x3e: {  	[sflag:s19] =	ssyncadd.s32 $0xFFFFC000  }
0x3f: {  	[spmem:s14] =	stream.linear.scatter [tilespmem:s4], [sflag:$0x2], $0x3800, $0x38;
	[tilespmem:$0x17A00] =	vst v63  }
0x40: {  	_ =	swait.ge [sflag:s19], $0x3800  }
0x41: {  	[sflag:s19] =	ssyncset.done $0x0  }
0x42: {  	s28 =	simm.s32 @!p0 $0x0;
	[sflag:s19] =	ssyncadd.s32 $0xFFFFC800  }
0x43: {  	[spmem:s15] =	stream.linear.scatter @!p0 [tilespmem:s28], [sflag:$0x2], $0x800, $0x38;
	[tilespmem:$0x17A00] =	vst v63  }
0x44: {  	s28 =	simm.s32 @!p0 $0x2  }
.Ltmp3:
0x45: {  	_ =	swait.ge @!p0 [sflag:s28], $0x800;
	(pc) =	sbr.rel .LBB2_4-.Ltmp3, $4  }
0x46: {  	[sflag:s28] =	ssyncset.done @!p0 $0x0  }
0x47: {  	[sflag:s28] =	ssyncadd.s32 @!p0 $0xFFFFF800  }
0x48: {  	[bflag:$0x0] =	sbarrier.arrive $0xFFFF  }
0x49: {  	s28 =	simm.s32 $0x0  }
.LBB2_8:
0x4a: {  	s28 =	sadd.s32 $0x1, s28  }
0x4b: {  	p1 =	sne.s32 s28, $0x4F  }
.Ltmp4:
0x4c: {  	_ = 	snop;
	(pc) =	sbr.rel @!p1 .LBB2_9-.Ltmp4, $1  }
0x4d: {  	_ =	sdelay $0x3  }
.LBB2_4:
0x4e: {  	s29 =	sshll.u32 s28, $0x5  }
0x4f: {  	s29 =	sor.u32 s9, s29  }
0x50: {  	p1 =	sgt.u32 s29, $0x9C3  }
.Ltmp5:
0x51: {  	_ = 	snop;
	(pc) =	sbr.rel @p1 .LBB2_8-.Ltmp5, $1  }
0x52: {  	_ =	sdelay $0x3  }
0x53: {  	s29 =	sor.u32 s6, s29  }
0x54: {  	s29 =	sshll.u32 s29, $0x4  }
0x55: {  	s31 =	simm.s32 $0x0;
	s30 =	sadd.s32 s8, s29  }
0x56: {  	[tilespmem:s20], [sflag:$0x3] =	stream.linear.gather [hbm4b:s30+s31], $0x80, $0x38;
	[tilespmem:$0x17A00] =	vst v63  }
0x57: {  	_ =	swait.ge [sflag:s21], $0x80  }
0x58: {  	[sflag:s21] =	ssyncset.done $0x0  }
0x59: {  	s30 =	sadd.s32 s1, s29;
	[sflag:s21] =	ssyncadd.s32 $0xFFFFFF80  }
0x5a: {  	[tilespmem:s22], [sflag:$0x3] =	stream.linear.gather [hbm4b:s30+s31], $0x80, $0x38;
	[tilespmem:$0x17A00] =	vst v63  }
0x5b: {  	_ =	swait.ge [sflag:s21], $0x80  }
0x5c: {  	[sflag:s21] =	ssyncset.done $0x0  }
0x5d: {  	s29 =	sadd.s32 s2, s29;
	[sflag:s21] =	ssyncadd.s32 $0xFFFFFF80  }
0x5e: {  	[tilespmem:s23], [sflag:$0x3] =	stream.linear.gather [hbm4b:s29+s31], $0x80, $0x38;
	[tilespmem:$0x17A00] =	vst v63  }
0x5f: {  	_ =	swait.ge [sflag:s21], $0x80  }
0x60: {  	[sflag:s21] =	ssyncset.done $0x0  }
0x61: {  	[sflag:s21] =	ssyncadd.s32 $0xFFFFFF80  }
0x62: {  	[tilespmem:s31], [sflag:$0x1] =	stream.indirect.gather [hbm4b:s7+s24], $0x80, s20, s24, $0xb8;
	[tilespmem:$0x17A00] =	vst v63  }
0x63: {  	_ =	swait.ge [sflag:s25], $0x4000  }
0x64: {  	v1 =	vmov s31;
	[sflag:s25] =	ssyncset.done $0x0  }
0x65: {  	s29 =	simm.s32 $0x40;
	[sflag:s25] =	ssyncadd.s32 $0xFFFFC000  }
0x66: {  	v5 =	vld [tilespmem:s29+$0x30]  }
0x67: {  	v8 =	vld [tilespmem:s29+$0x10]  }
0x68: {  	v6 =	vld [tilespmem:s29+$0xFFFFFFC0]  }
0x69: {  	v2 =	vld.idx.msk [tilespmem:v1+s23+$0x0], $0xffff  }
0x6a: {  	v10 =	vld [tilespmem:s29+$0xFFFFFFE0]  }
0x6b: {  	v1 =	vld [tilespmem:s29+$0xFFFFFFF0]  }
0x6c: {  	v3 =	vld [tilespmem:s29+$0x20]  }
0x6d: {  	v4 =	vld [tilespmem:s29+$0xFFFFFFD0]  }
0x6e: {  	v9 =	vmul.f32 v5, v2;
	v5 =	vld [tilespmem:s29+$0x0]  }
0x6f: {  	v7 =	vmul.f32 v6, v2  }
0x70: {  	s30 =	simm.s32 $0x1;
	s31 =	simm.s32 $0x40;
	v6 =	vmul.f32 v10, v2;
	v8 =	vmul.f32 v8, v2  }
.LBB2_6:
0x71: {  	p1 =	sne.s32 s30, $0x7F  }
0x72: {  	v4 =	vmul.f32 v4, v2;
	v3 =	vmul.f32 v3, v2;
	[tilespmem:s29+$0x30] =	vst v9;
	s31 =	sadd.s32 $0x80, s31;
	s0 =	smov.u32 s30;
	s30 =	sadd.s32 $0x1, s30  }
0x73: {  	[tilespmem:s29+$0xFFFFFFC0] =	vst v7;
	v7 =	vmul.f32 v1, v2;
	v2 =	vmul.f32 v5, v2  }
0x74: {  	[tilespmem:s29+$0x10] =	vst v8  }
0x75: {  	v5 =	vmov s0;
	[tilespmem:s29+$0xFFFFFFE0] =	vst v6  }
0x76: {  	v1 =	vld [tilespmem:s31+$0xFFFFFFF0];
	[tilespmem:s29+$0xFFFFFFF0] =	vst v7  }
0x77: {  	v6 =	vld [tilespmem:s31+$0x30];
	[tilespmem:s29+$0x0] =	vst v2  }
0x78: {  	v8 =	vld [tilespmem:s31+$0x10];
	[tilespmem:s29+$0x20] =	vst v3  }
0x79: {  	v7 =	vld [tilespmem:s31+$0xFFFFFFC0];
	[tilespmem:s29+$0xFFFFFFD0] =	vst v4;
	s29 =	smov.u32 s31  }
0x7a: {  	v2 =	vld.idx.msk [tilespmem:v5+s23+$0x0], $0xffff  }
0x7b: {  	v10 =	vld [tilespmem:s31+$0xFFFFFFE0]  }
0x7c: {  	v3 =	vld [tilespmem:s31+$0x20]  }
.Ltmp6:
0x7d: {  	v4 =	vld [tilespmem:s31+$0xFFFFFFD0];
	(pc) =	sbr.rel @p1 .LBB2_6-.Ltmp6, $3  }
0x7e: {  	v5 =	vld [tilespmem:s31+$0x0];
	_ =	sdelay $0x1  }
0x7f: {  	v7 =	vmul.f32 v7, v2;
	v9 =	vmul.f32 v6, v2  }
0x80: {  	v8 =	vmul.f32 v8, v2;
	v6 =	vmul.f32 v10, v2  }
0x81: {  	[tilespmem:s29+$0x30] =	vst v9  }
0x82: {  	[tilespmem:s29+$0xFFFFFFC0] =	vst v7  }
0x83: {  	v1 =	vmul.f32 v1, v2;
	[tilespmem:s29+$0x10] =	vst v8  }
0x84: {  	v3 =	vmul.f32 v3, v2;
	[tilespmem:s29+$0xFFFFFFE0] =	vst v6  }
0x85: {  	v5 =	vmul.f32 v5, v2;
	[tilespmem:s29+$0xFFFFFFF0] =	vst v1  }
0x86: {  	v1 =	vmul.f32 v4, v2;
	[tilespmem:s29+$0x20] =	vst v3  }
0x87: {  	[tilespmem:s29+$0x0] =	vst v5  }
.Ltmp7:
0x88: {  	[tilespmem:s29+$0xFFFFFFD0] =	vst v1;
	(pc) =	sbr.rel .LBB2_8-.Ltmp7, $4  }
0x89: {  	[spmem:s3] =	stream.indirect.scatter.add.f32 [tilespmem:s4], [sflag:$0x2], $0x80, s22, s24, $0xb8;
	[tilespmem:$0x17A00] =	vst v63  }
0x8a: {  	_ =	swait.ge [sflag:s19], $0x4000  }
0x8b: {  	[sflag:s19] =	ssyncset.done $0x0  }
0x8c: {  	[sflag:s19] =	ssyncadd.s32 $0xFFFFC000  }
.LBB2_10:
0x8d: {  	_ =	sfence.sel $0x180000  }
0x8e: {  	[bflag:$0x0] =	sbarrier.arrive $0xFFFF  }
0x8f: {  	_ =	strace $0x9000004A  }
0x90: {  	[bflag:$0x2] =	sbarrier.arrive $0xFFFF  }
0x91: {  	p0 =	sne.s32 s5, $0x0;
	s0 =	rddreg [dreg:$0x4]  }
0x92: {  	s0 =	sadd.s32 @!p0 $0x100000, s0  }
0x93: {  	[sflag:s0] =	ssyncadd.tile.s32 @!p0 $0x1;
	_ =	shalt  }
.Lfunc_end2:
_tile_overlayer_lowered:
.L_overlay_start_2:
0x94: {  	(tag) =	ssettag $0x2  }
0x95: {  	s0 =	rddreg [dreg:$0x0];
	s2 =	stileid.u32  }
0x96: {  	s1 =	rddreg [dreg:$0x1];
	p0 =	sne.s32 s2, $0x0  }
0x97: {  	s3 =	rddreg [dreg:$0x2];
	[bflag:$0x3] =	sbarrier.arrive $0xFFFF;
	s2 =	simm.s32 @!p0 $0x1C02  }
0x98: {  	[timem:s3], [sflag:s2] =	dma.local @!p0 [hbm:s0], s1  }
0x99: {  	s0 =	simm.s32 @!p0 $0x2  }
0x9a: {  	_ =	swait.ge @!p0 [sflag:s0], s1  }
0x9b: {  	s1 =	ssub.s32 @!p0 $0x0, s1;
	[sflag:s0] =	ssyncset.done @!p0 $0x0  }
0x9c: {  	[sflag:s0] =	ssyncadd.s32 @!p0 s1  }
0x9d: {  	[bflag:$0x3] =	sbarrier.arrive $0xFFFF  }
0x9e: {  	_ =	shalt  }

// kernel: kernel.7.cloned.1.call-start
scs
__scs_entry_jumppad:
0x0: {  	(pc) =	sbr.rel $0x88, $3  }
0x1: {  	(tag) =	ssettag $0x0;
	lr =	simm.s32 $0x1  }
0x2: {  	[smem:$0x3F98] =	sst lr;
	_ =	strace $0xD0000000  }
0x3: {  	_ = 	snop  }
0x4: {  	_ = 	snop  }
0x5: {  	_ = 	snop  }
0x6: {  	_ = 	snop  }
0x7: {  	_ = 	snop  }
__scs_overlays_trampoline_lowered:
0x8: {  	[smem:$0x3FA7] =	sst s0  }
0x9: {  	[smem:$0x3FA8] =	sst s1  }
0xa: {  	[smem:$0x3FA9] =	sst s2  }
0xb: {  	[smem:$0x3FAA] =	sst s3  }
0xc: {  	[smem:$0x3FAB] =	sst s4  }
0xd: {  	[smem:$0x3FAC] =	sst s5  }
0xe: {  	[smem:$0x3FAD] =	sst s6  }
0xf: {  	[smem:$0x3FAE] =	sst s7  }
0x10: {  	[smem:$0x3FAF] =	sst s8  }
0x11: {  	[smem:$0x3FB0] =	sst s9;
	s0 =	simm.s32 @!p0 $0x0  }
0x12: {  	s1 =	sld [smem:$0x3F96];
	s0 =	simm.s32 @p0 $0x1  }
0x13: {  	[smem:$0x3FB1] =	sst s0;
	s0 =	simm.s32 @!p1 $0x0  }
0x14: {  	s2 =	sld [smem:$0x3F95];
	s0 =	simm.s32 @p1 $0x1  }
0x15: {  	[smem:$0x3FB2] =	sst s0;
	s0 =	simm.s32 @!p2 $0x0  }
0x16: {  	s3 =	sld [smem:$0x3FDB];
	s0 =	simm.s32 @p2 $0x1  }
0x17: {  	s4 =	simm.s32 $0x1BF5;
	[smem:$0x3FB4] =	sst s0  }
0x18: {  	s0 =	sld [smem:$0x3F97];
	_ =	swait.ge [sflag:s4], $0x0  }
0x19: {  	s7 =	sld [smem:$0x3F98]  }
0x1a: {  	s8 =	sadd.s32 $0xFFFFE003, lr  }
0x1b: {  	s9 =	sadd.s32 $0xFFFFFEF7, lr;
	s5 =	simm.s32 $0xFFFFFFFF;
	p2 =	slt.u32 s8, $0xFFFFF086  }
0x1c: {  	p1 =	slt.u32 s9, $0xF7A;
	s5 =	simm.s32 @!p2 $0x0  }
0x1d: {  	s5 =	simm.s32 @p1 $0x1;
	p0 =	seq.s32 s7, s2  }
0x1e: {  	s7 =	smul.u32 @!p0 $0xF7A, s2;
	p2 =	seq.s32 @!p0 s5, $0x0  }
0x1f: {  	s9 =	smul.u32 $0xF7A, s1;
	s8 =	simm.s32 @!p0 $0x1BF5;
	p2 =	por !p2, p0  }
0x20: {  	[sflag:s8] =	ssyncset.s32 @!p0 $0xFFFFF086;
	s6 =	sadd.s32 @!p0 s3, s7;
	s7 =	simm.s32 @!p0 $0x108  }
0x21: {  	s3 =	sadd.s32 s3, s9;
	s6 =	sadd.s32 @!p0 $0x88, s6;
	s7 =	simm.s32 @p2 $0x1082  }
0x22: {  	[simem:s7], [sflag:s8] =	dma.local @!p0 [hbm:s6], $0xF7A  }
0x23: {  	s9 =	sor.u32 $0xD0000000, s2;
	s6 =	simm.s32 $0x108;
	_ =	swait.ge @!p0 [sflag:s8], $0x0  }
0x24: {  	s3 =	sadd.s32 $0x88, s3;
	s6 =	simm.s32 @!p1 $0x1082;
	[sflag:s4] =	ssyncset.s32 $0xFFFFF086  }
0x25: {  	[simem:s6], [sflag:s4] =	dma.local [hbm:s3], $0xF7A  }
0x26: {  	[smem:$0x3F98] =	sst s1;
	(tag) =	ssettag s2;
	_ =	strace s9  }
0x27: {  	s1 =	sld [smem:$0x3FA8]  }
0x28: {  	s2 =	sld [smem:$0x3FA9]  }
0x29: {  	s4 =	sld [smem:$0x3FAB]  }
0x2a: {  	p0 =	seq.s32 s5, $0x0;
	s5 =	sld [smem:$0x3FAC]  }
0x2b: {  	s6 =	sld [smem:$0x3FAD]  }
0x2c: {  	s7 =	sld [smem:$0x3FAE]  }
0x2d: {  	s3 =	simm.s32 $0x108;
	s8 =	sld [smem:$0x3FAF]  }
0x2e: {  	s3 =	simm.s32 @!p0 $0x1082;
	s9 =	sld [smem:$0x3FB0]  }
0x2f: {  	lr =	sadd.s32 s0, s3;
	s0 =	sld [smem:$0x3FA7]  }
0x30: {  	s3 =	sld [smem:$0x3FAA]  }
0x31: {  	[smem:$0x3FB3] =	sst s10  }
0x32: {  	s10 =	sld [smem:$0x3FB1];
	_ =	sdelay $0x3  }
0x33: {  	p0 =	seq.s32 s10, $0x1;
	s10 =	sld [smem:$0x3FB3];
	_ =	sdelay $0x3  }
0x34: {  	[smem:$0x3FB3] =	sst s10  }
0x35: {  	s10 =	sld [smem:$0x3FB2];
	_ =	sdelay $0x3  }
0x36: {  	p1 =	seq.s32 s10, $0x1;
	s10 =	sld [smem:$0x3FB3];
	_ =	sdelay $0x3  }
0x37: {  	[smem:$0x3FB3] =	sst s10  }
0x38: {  	s10 =	sld [smem:$0x3FB4]  }
0x39: {  	_ = 	snop;
	(pc) =	sbr.ind lr, $3  }
0x3a: {  	_ = 	snop  }
0x3b: {  	_ = 	snop  }
0x3c: {  	p2 =	seq.s32 s10, $0x1;
	s10 =	sld [smem:$0x3FB3]  }
0x3d: {  	_ =	shalt  }
0x3e: {  	_ =	shalt  }
0x3f: {  	_ =	shalt  }
0x40: {  	_ =	shalt  }
0x41: {  	_ =	shalt  }
0x42: {  	_ =	shalt  }
0x43: {  	_ =	shalt  }
0x44: {  	_ =	shalt  }
0x45: {  	_ =	shalt  }
0x46: {  	_ =	shalt  }
0x47: {  	_ =	shalt  }
0x48: {  	_ =	shalt  }
0x49: {  	_ =	shalt  }
0x4a: {  	_ =	shalt  }
0x4b: {  	_ =	shalt  }
0x4c: {  	_ =	shalt  }
0x4d: {  	_ =	shalt  }
0x4e: {  	_ =	shalt  }
0x4f: {  	_ =	shalt  }
0x50: {  	_ =	shalt  }
0x51: {  	_ =	shalt  }
0x52: {  	_ =	shalt  }
0x53: {  	_ =	shalt  }
0x54: {  	_ =	shalt  }
0x55: {  	_ =	shalt  }
0x56: {  	_ =	shalt  }
0x57: {  	_ =	shalt  }
0x58: {  	_ =	shalt  }
0x59: {  	_ =	shalt  }
0x5a: {  	_ =	shalt  }
0x5b: {  	_ =	shalt  }
0x5c: {  	_ =	shalt  }
0x5d: {  	_ =	shalt  }
0x5e: {  	_ =	shalt  }
0x5f: {  	_ =	shalt  }
0x60: {  	_ =	shalt  }
0x61: {  	_ =	shalt  }
0x62: {  	_ =	shalt  }
0x63: {  	_ =	shalt  }
0x64: {  	_ =	shalt  }
0x65: {  	_ =	shalt  }
0x66: {  	_ =	shalt  }
0x67: {  	_ =	shalt  }
0x68: {  	_ =	shalt  }
0x69: {  	_ =	shalt  }
0x6a: {  	_ =	shalt  }
0x6b: {  	_ =	shalt  }
0x6c: {  	_ =	shalt  }
0x6d: {  	_ =	shalt  }
0x6e: {  	_ =	shalt  }
0x6f: {  	_ =	shalt  }
0x70: {  	_ =	shalt  }
0x71: {  	_ =	shalt  }
0x72: {  	_ =	shalt  }
0x73: {  	_ =	shalt  }
0x74: {  	_ =	shalt  }
0x75: {  	_ =	shalt  }
0x76: {  	_ =	shalt  }
0x77: {  	_ =	shalt  }
0x78: {  	_ =	shalt  }
0x79: {  	_ =	shalt  }
0x7a: {  	_ =	shalt  }
0x7b: {  	_ =	shalt  }
0x7c: {  	_ =	shalt  }
0x7d: {  	_ =	shalt  }
0x7e: {  	_ =	shalt  }
0x7f: {  	_ =	shalt  }
0x80: {  	_ =	shalt  }
0x81: {  	_ =	shalt  }
0x82: {  	_ =	shalt  }
0x83: {  	_ =	shalt  }
0x84: {  	_ =	shalt  }
0x85: {  	_ =	shalt  }
0x86: {  	_ =	shalt  }
0x87: {  	_ =	shalt  }
.Lfunc_end0:
.L_simem_size_0:
called_computation_lowered:
.L_overlay_start_0:
0x88: {  	s2 =	sld [smem:$0x3FD9]  }
0x89: {  	s3 =	sld [smem:$0x3FFE];
	_ =	sdelay $0x1  }
0x8a: {  	s1 =	srdreg.scid  }
0x8b: {  	s0 =	sand.u32 $0x1, s1  }
0x8c: {  	s17 =	sshll.u32 s0, $0xA;
	s2 =	sadd.s32 s3, s2  }
0x8d: {  	s2 =	sadd.s32 s2, s17  }
0x8e: {  	[smem:$0x3FBF] =	sst s2  }
0x8f: {  	_ = 	snop  }
0x90: {  	s2 =	sld [smem:$0x3FC7]  }
0x91: {  	s18 =	sld [smem:$0x3FD0];
	(tm) =	ssettm $0x1  }
0x92: {  	s4 =	sld [smem:$0x3FFB];
	_ =	sdelay $0x3  }
0x93: {  	_ =	strace s4  }
0x94: {  	s4 =	sld [smem:$0x3FFC];
	_ =	sdelay $0x3  }
0x95: {  	_ =	strace s4  }
0x96: {  	s4 =	sld [smem:$0x3FFD];
	_ =	sdelay $0x3  }
0x97: {  	_ =	strace s4  }
0x98: {  	_ =	strace $0x8FFFFFFF  }
0x99: {  	s19 =	sld [smem:$0x3FDB];
	_ =	sdelay $0x1  }
0x9a: {  	s5 =	simm.s32 $_scs_section_size  }
0x9b: {  	s6 =	simm.s32 $_size__tile_overlayer_lowered;
	s7 =	simm.s32 $_tile_overlayer_lowered  }
0x9c: {  	s22 =	simm.s32 $0x1BFF;
	s21 =	sshll.u32 s7, $0x1;
	s4 =	sadd.s32 s5, s19  }
0x9d: {  	s8 =	simm.s32 $0x0;
	s20 =	sshll.u32 s6, $0x1;
	s6 =	sadd.s32 s21, s4  }
0x9e: {  	[timem:s8], [sflag:s22] =	dma.local [hbm:s6], s20  }
0x9f: {  	_ =	swait.ge [sflag:s22], s20  }
0xa0: {  	s5 =	ssub.s32 $0x0, s20;
	[sflag:s22] =	ssyncset.done $0x0  }
0xa1: {  	[sflag:s22] =	ssyncadd.s32 s5;
	_ =	sdelay $0x1  }
0xa2: {  	s23 =	simm.s32 $0x1B8B  }
0xa3: {  	_ =	swait.ge [sflag:s23], $0x1  }
0xa4: {  	[sflag:s23] =	ssyncset.done $0x0  }
0xa5: {  	s25 =	simm.s32 $0x1B8E;
	s24 =	sld [smem:$0x3FFE];
	[sflag:s23] =	ssyncadd.s32 $0xFFFFFFFF  }
0xa6: {  	s26 =	simm.s32 $execute0_lowered;
	[smem:$0x3FD2] =	sst s25  }
0xa7: {  	s6 =	sshll.u32 s26, $0x1;
	_ =	strace $0x80000046;
	[dreg:$0x1] =	wrdreg $0xFFFFFFFF  }
0xa8: {  	s28 =	simm.s32 $_size_execute0_lowered;
	s4 =	sadd.s32 s4, s6;
	[dreg:$0x0] =	wrdreg $0x0  }
0xa9: {  	s6 =	sshll.u32 s28, $0x1;
	[dreg:$0x2] =	wrdreg s4  }
0xaa: {  	[dreg:$0x3] =	wrdreg s6  }
0xab: {  	[dreg:$0x4] =	wrdreg $0xC0  }
0xac: {  	_ =	task [dreg:s8], $0x5FFFF  }
0xad: {  	[dreg:$0x1] =	wrdreg $0xFFFFFFFF  }
0xae: {  	[dreg:$0x0] =	wrdreg $0x60  }
0xaf: {  	[dreg:$0x2] =	wrdreg s24  }
0xb0: {  	[dreg:$0x3] =	wrdreg s18  }
0xb1: {  	[dreg:$0x4] =	wrdreg s2  }
0xb2: {  	[dreg:$0x5] =	wrdreg $0x41800  }
0xb3: {  	[dreg:$0x6] =	wrdreg $0x9  }
0xb4: {  	_ =	task.clear_ibuf [dreg:s8], $0x7FFFF;
	_ =	strace $0x90000046  }
0xb5: {  	s29 =	simm.s32 $0x9;
	_ =	strace $0x80000048  }
0xb6: {  	_ =	swait.ge [sflag:s29], $0x1  }
0xb7: {  	[sflag:s29] =	ssyncadd.s32 $0xFFFFFFFF  }
0xb8: {  	_ =	strace $0x90000048  }
0xb9: {  	_ =	sfence  }
0xba: {  	s30 =	sld [smem:$0x0];
	_ =	sdelay $0x2  }
0xbb: {  	s31 =	sshll.u32 s1, $0xD;
	s1 =	sshrl.u32 s1, $0x2  }
0xbc: {  	s3 =	sand.u32 $0x4000, s31;
	s1 =	sadd.s32 s1, s30  }
0xbd: {  	s0 =	sor.u32 s3, s0;
	s1 =	sshll.u32 s1, $0x11  }
0xbe: {  	s0 =	sor.u32 s1, s0  }
0xbf: {  	s0 =	sadd.s32 $0x8F2B, s0  }
0xc0: {  	[sflag:s0] =	ssyncadd.remote.s32 $0x1  }
0xc1: {  	_ =	sfence.sel $0xFFFF  }
0xc2: {  	[dreg:$0x0] =	wrdreg $0xFFFFFFFF;
	(pc) =	sbr.abs _section_cstart, $3  }
0xc3: {  	[dreg:$0x1] =	wrdreg $0xFFFFFFFF  }
0xc4: {  	_ =	task.clear_ibuf [dreg:s8], $0x2FFFF;
	_ =	strace $0x9FFFFFFF  }
0xc5: {  	(tm) =	ssettm $0x7FFFFFFF  }
tec
execute0_lowered:
.L_overlay_start_1:
0x0: {  	(tag) =	ssettag $0x1  }
0x1: {  	s9 =	rddreg [dreg:$0x0]  }
0x2: {  	s1 =	rddreg [dreg:$0x1]  }
0x3: {  	s2 =	rddreg [dreg:$0x2]  }
0x4: {  	s3 =	rddreg [dreg:$0x3];
	s4 =	simm.s32 $0x0  }
0x5: {  	s5 =	srdreg.scid;
	s20 =	simm.s32 $0x4000;
	s21 =	simm.s32 $0x3  }
0x6: {  	s22 =	simm.s32 $0x4080;
	s23 =	simm.s32 $0x4100;
	s24 =	simm.s32 $0x80  }
0x7: {  	s25 =	simm.s32 $0x1;
	s26 =	simm.s32 $0x0;
	[smem:$0x7FF] =	sst s4  }
0x8: {  	s6 =	sand.u32 $0x1, s5;
	s5 =	stileid.u32;
	s7 =	sadd.s32 $0xB400, s9  }
0x9: {  	s8 =	sadd.s32 $0x1600, s9;
	s16 =	sadd.s32 $0x32600, s9;
	s11 =	smul.u32 $0x4E000, s5  }
0xa: {  	_ =	strace $0x80000047;
	s10 =	ssub.s32 $0x2, s6;
	s15 =	smul.u32 $0x138800, s6  }
0xb: {  	s9 =	sshll.u32 s5, $0x1;
	s17 =	smul.u32 $0x13800, s5;
	s30 =	sshrl.u32 s10, $0x1  }
0xc: {  	p0 =	sne.s32 s5, $0xF;
	s18 =	ssub.s32 s10, s30;
	s31 =	sshrl.u32 s11, $0x2  }
.Ltmp0:
0xd: {  	s17 =	sadd.s32 s17, s15;
	s19 =	sshrl.u32 s15, $0x3;
	(pc) =	sbr.rel .LBB2_1-.Ltmp0, $4  }
0xe: {  	s15 =	sadd.s32 $0x138000, s3;
	s10 =	sadd.s32 s31, s3;
	s17 =	sshrl.u32 s17, $0x3  }
0xf: {  	s19 =	sadd.s32 s16, s19;
	s18 =	smax.u32 s18, $0x1;
	s11 =	sadd.s32 $0x4000, s10  }
0x10: {  	s12 =	sadd.s32 $0x8000, s10;
	s13 =	sadd.s32 $0xC000, s10;
	s14 =	sadd.s32 $0x10000, s10  }
0x11: {  	v0 =	vimm.f32 $0.0e+00;
	s16 =	sadd.s32 s16, s17;
	s17 =	sadd.s32 $0x27000, s19;
	s19 =	simm.s32 $0x2  }
.LBB2_9:
0x12: {  	s0 =	sshll.u32 s5, $0x6  }
0x13: {  	[bflag:$0x0] =	sbarrier.arrive $0xFFFF;
	s28 =	sshrl.u32 s10, $0x3;
	s0 =	sor.u32 $0x1C02, s0  }
0x14: {  	[hbm:s16], [sflag:s0] =	dma.local [spmem:s28], $0x2700  }
0x15: {  	_ =	swait.ge [sflag:s19], $0x2700  }
0x16: {  	s26 =	sadd.s32 $0x1, s26;
	[sflag:s19] =	ssyncset.done $0x0  }
0x17: {  	p1 =	sne.s32 s26, s18;
	s28 =	sshrl.u32 @!p0 s15, $0x3;
	[sflag:s19] =	ssyncadd.s32 $0xFFFFD900  }
0x18: {  	[hbm:s17], [sflag:s0] =	dma.local @!p0 [spmem:s28], $0x100  }
.Ltmp1:
0x19: {  	_ = 	snop;
	(pc) =	sbr.rel @!p1 .LBB2_10-.Ltmp1, $4  }
0x1a: {  	s0 =	simm.s32 @!p0 $0x2  }
0x1b: {  	_ =	swait.ge @!p0 [sflag:s0], $0x100  }
0x1c: {  	[sflag:s0] =	ssyncset.done @!p0 $0x0  }
0x1d: {  	[sflag:s0] =	ssyncadd.s32 @!p0 $0xFFFFFF00  }
.LBB2_1:
0x1e: {  	s28 =	simm.s32 $0x0;
	s29 =	simm.s32 $0x200  }
.LBB2_2:
0x1f: {  	p1 =	sne.s32 s29, $0xFE00;
	[tilespmem:s28+$0x70] =	vst v0  }
0x20: {  	[tilespmem:s28+$0x0] =	vst v0  }
0x21: {  	[tilespmem:s28+$0x10] =	vst v0  }
.Ltmp2:
0x22: {  	[tilespmem:s28+$0x20] =	vst v0;
	(pc) =	sbr.rel @p1 .LBB2_2-.Ltmp2, $4  }
0x23: {  	[tilespmem:s28+$0x30] =	vst v0  }
0x24: {  	[tilespmem:s28+$0x40] =	vst v0  }
0x25: {  	[tilespmem:s28+$0x50] =	vst v0  }
0x26: {  	[tilespmem:s28+$0x60] =	vst v0;
	s28 =	sshra.s32 s29, $0x2;
	s29 =	sadd.s32 $0x200, s29  }
0x27: {  	[tilespmem:s28+$0x70] =	vst v0  }
0x28: {  	[tilespmem:s28+$0x0] =	vst v0  }
0x29: {  	[tilespmem:s28+$0x10] =	vst v0  }
0x2a: {  	[tilespmem:s28+$0x20] =	vst v0  }
0x2b: {  	[tilespmem:s28+$0x30] =	vst v0  }
0x2c: {  	[tilespmem:s28+$0x40] =	vst v0  }
0x2d: {  	[tilespmem:s28+$0x50] =	vst v0  }
0x2e: {  	[tilespmem:s28+$0x60] =	vst v0  }
0x2f: {  	[spmem:s10] =	stream.linear.scatter [tilespmem:s4], [sflag:$0x2], $0x4000, $0x38;
	[tilespmem:$0x17A00] =	vst v63  }
0x30: {  	_ =	swait.ge [sflag:s19], $0x4000  }
0x31: {  	[sflag:s19] =	ssyncset.done $0x0  }
0x32: {  	[sflag:s19] =	ssyncadd.s32 $0xFFFFC000  }
0x33: {  	[spmem:s11] =	stream.linear.scatter [tilespmem:s4], [sflag:$0x2], $0x4000, $0x38;
	[tilespmem:$0x17A00] =	vst v63  }
0x34: {  	_ =	swait.ge [sflag:s19], $0x4000  }
0x35: {  	[sflag:s19] =	ssyncset.done $0x0  }
0x36: {  	[sflag:s19] =	ssyncadd.s32 $0xFFFFC000  }
0x37: {  	[spmem:s12] =	stream.linear.scatter [tilespmem:s4], [sflag:$0x2], $0x4000, $0x38;
	[tilespmem:$0x17A00] =	vst v63  }
0x38: {  	_ =	swait.ge [sflag:s19], $0x4000  }
0x39: {  	[sflag:s19] =	ssyncset.done $0x0  }
0x3a: {  	[sflag:s19] =	ssyncadd.s32 $0xFFFFC000  }
0x3b: {  	[spmem:s13] =	stream.linear.scatter [tilespmem:s4], [sflag:$0x2], $0x4000, $0x38;
	[tilespmem:$0x17A00] =	vst v63  }
0x3c: {  	_ =	swait.ge [sflag:s19], $0x4000  }
0x3d: {  	[sflag:s19] =	ssyncset.done $0x0  }
0x3e: {  	[sflag:s19] =	ssyncadd.s32 $0xFFFFC000  }
0x3f: {  	[spmem:s14] =	stream.linear.scatter [tilespmem:s4], [sflag:$0x2], $0x3800, $0x38;
	[tilespmem:$0x17A00] =	vst v63  }
0x40: {  	_ =	swait.ge [sflag:s19], $0x3800  }
0x41: {  	[sflag:s19] =	ssyncset.done $0x0  }
0x42: {  	s28 =	simm.s32 @!p0 $0x0;
	[sflag:s19] =	ssyncadd.s32 $0xFFFFC800  }
0x43: {  	[spmem:s15] =	stream.linear.scatter @!p0 [tilespmem:s28], [sflag:$0x2], $0x800, $0x38;
	[tilespmem:$0x17A00] =	vst v63  }
0x44: {  	s28 =	simm.s32 @!p0 $0x2  }
.Ltmp3:
0x45: {  	_ =	swait.ge @!p0 [sflag:s28], $0x800;
	(pc) =	sbr.rel .LBB2_4-.Ltmp3, $4  }
0x46: {  	[sflag:s28] =	ssyncset.done @!p0 $0x0  }
0x47: {  	[sflag:s28] =	ssyncadd.s32 @!p0 $0xFFFFF800  }
0x48: {  	[bflag:$0x0] =	sbarrier.arrive $0xFFFF  }
0x49: {  	s28 =	simm.s32 $0x0  }
.LBB2_8:
0x4a: {  	s28 =	sadd.s32 $0x1, s28  }
0x4b: {  	p1 =	sne.s32 s28, $0x4F  }
.Ltmp4:
0x4c: {  	_ = 	snop;
	(pc) =	sbr.rel @!p1 .LBB2_9-.Ltmp4, $1  }
0x4d: {  	_ =	sdelay $0x3  }
.LBB2_4:
0x4e: {  	s29 =	sshll.u32 s28, $0x5  }
0x4f: {  	s29 =	sor.u32 s9, s29  }
0x50: {  	p1 =	sgt.u32 s29, $0x9C3  }
.Ltmp5:
0x51: {  	_ = 	snop;
	(pc) =	sbr.rel @p1 .LBB2_8-.Ltmp5, $1  }
0x52: {  	_ =	sdelay $0x3  }
0x53: {  	s29 =	sor.u32 s6, s29  }
0x54: {  	s29 =	sshll.u32 s29, $0x4  }
0x55: {  	s31 =	simm.s32 $0x0;
	s30 =	sadd.s32 s8, s29  }
0x56: {  	[tilespmem:s20], [sflag:$0x3] =	stream.linear.gather [hbm4b:s30+s31], $0x80, $0x38;
	[tilespmem:$0x17A00] =	vst v63  }
0x57: {  	_ =	swait.ge [sflag:s21], $0x80  }
0x58: {  	[sflag:s21] =	ssyncset.done $0x0  }
0x59: {  	s30 =	sadd.s32 s1, s29;
	[sflag:s21] =	ssyncadd.s32 $0xFFFFFF80  }
0x5a: {  	[tilespmem:s22], [sflag:$0x3] =	stream.linear.gather [hbm4b:s30+s31], $0x80, $0x38;
	[tilespmem:$0x17A00] =	vst v63  }
0x5b: {  	_ =	swait.ge [sflag:s21], $0x80  }
0x5c: {  	[sflag:s21] =	ssyncset.done $0x0  }
0x5d: {  	s29 =	sadd.s32 s2, s29;
	[sflag:s21] =	ssyncadd.s32 $0xFFFFFF80  }
0x5e: {  	[tilespmem:s23], [sflag:$0x3] =	stream.linear.gather [hbm4b:s29+s31], $0x80, $0x38;
	[tilespmem:$0x17A00] =	vst v63  }
0x5f: {  	_ =	swait.ge [sflag:s21], $0x80  }
0x60: {  	[sflag:s21] =	ssyncset.done $0x0  }
0x61: {  	[sflag:s21] =	ssyncadd.s32 $0xFFFFFF80  }
0x62: {  	[tilespmem:s31], [sflag:$0x1] =	stream.indirect.gather [hbm4b:s7+s24], $0x80, s20, s24, $0xb8;
	[tilespmem:$0x17A00] =	vst v63  }
0x63: {  	_ =	swait.ge [sflag:s25], $0x4000  }
0x64: {  	v1 =	vmov s31;
	[sflag:s25] =	ssyncset.done $0x0  }
0x65: {  	s29 =	simm.s32 $0x40;
	[sflag:s25] =	ssyncadd.s32 $0xFFFFC000  }
0x66: {  	v5 =	vld [tilespmem:s29+$0x30]  }
0x67: {  	v8 =	vld [tilespmem:s29+$0x10]  }
0x68: {  	v6 =	vld [tilespmem:s29+$0xFFFFFFC0]  }
0x69: {  	v2 =	vld.idx.msk [tilespmem:v1+s23+$0x0], $0xffff  }
0x6a: {  	v10 =	vld [tilespmem:s29+$0xFFFFFFE0]  }
0x6b: {  	v1 =	vld [tilespmem:s29+$0xFFFFFFF0]  }
0x6c: {  	v3 =	vld [tilespmem:s29+$0x20]  }
0x6d: {  	v4 =	vld [tilespmem:s29+$0xFFFFFFD0]  }
0x6e: {  	v9 =	vmul.f32 v5, v2;
	v5 =	vld [tilespmem:s29+$0x0]  }
0x6f: {  	v7 =	vmul.f32 v6, v2  }
0x70: {  	s30 =	simm.s32 $0x1;
	s31 =	simm.s32 $0x40;
	v6 =	vmul.f32 v10, v2;
	v8 =	vmul.f32 v8, v2  }
.LBB2_6:
0x71: {  	p1 =	sne.s32 s30, $0x7F  }
0x72: {  	v4 =	vmul.f32 v4, v2;
	v3 =	vmul.f32 v3, v2;
	[tilespmem:s29+$0x30] =	vst v9;
	s31 =	sadd.s32 $0x80, s31;
	s0 =	smov.u32 s30;
	s30 =	sadd.s32 $0x1, s30  }
0x73: {  	[tilespmem:s29+$0xFFFFFFC0] =	vst v7;
	v7 =	vmul.f32 v1, v2;
	v2 =	vmul.f32 v5, v2  }
0x74: {  	[tilespmem:s29+$0x10] =	vst v8  }
0x75: {  	v5 =	vmov s0;
	[tilespmem:s29+$0xFFFFFFE0] =	vst v6  }
0x76: {  	v1 =	vld [tilespmem:s31+$0xFFFFFFF0];
	[tilespmem:s29+$0xFFFFFFF0] =	vst v7  }
0x77: {  	v6 =	vld [tilespmem:s31+$0x30];
	[tilespmem:s29+$0x0] =	vst v2  }
0x78: {  	v8 =	vld [tilespmem:s31+$0x10];
	[tilespmem:s29+$0x20] =	vst v3  }
0x79: {  	v7 =	vld [tilespmem:s31+$0xFFFFFFC0];
	[tilespmem:s29+$0xFFFFFFD0] =	vst v4;
	s29 =	smov.u32 s31  }
0x7a: {  	v2 =	vld.idx.msk [tilespmem:v5+s23+$0x0], $0xffff  }
0x7b: {  	v10 =	vld [tilespmem:s31+$0xFFFFFFE0]  }
0x7c: {  	v3 =	vld [tilespmem:s31+$0x20]  }
.Ltmp6:
0x7d: {  	v4 =	vld [tilespmem:s31+$0xFFFFFFD0];
	(pc) =	sbr.rel @p1 .LBB2_6-.Ltmp6, $3  }
0x7e: {  	v5 =	vld [tilespmem:s31+$0x0];
	_ =	sdelay $0x1  }
0x7f: {  	v7 =	vmul.f32 v7, v2;
	v9 =	vmul.f32 v6, v2  }
0x80: {  	v8 =	vmul.f32 v8, v2;
	v6 =	vmul.f32 v10, v2  }
0x81: {  	[tilespmem:s29+$0x30] =	vst v9  }
0x82: {  	[tilespmem:s29+$0xFFFFFFC0] =	vst v7  }
0x83: {  	v1 =	vmul.f32 v1, v2;
	[tilespmem:s29+$0x10] =	vst v8  }
0x84: {  	v3 =	vmul.f32 v3, v2;
	[tilespmem:s29+$0xFFFFFFE0] =	vst v6  }
0x85: {  	v5 =	vmul.f32 v5, v2;
	[tilespmem:s29+$0xFFFFFFF0] =	vst v1  }
0x86: {  	v1 =	vmul.f32 v4, v2;
	[tilespmem:s29+$0x20] =	vst v3  }
0x87: {  	[tilespmem:s29+$0x0] =	vst v5  }
.Ltmp7:
0x88: {  	[tilespmem:s29+$0xFFFFFFD0] =	vst v1;
	(pc) =	sbr.rel .LBB2_8-.Ltmp7, $4  }
0x89: {  	[spmem:s3] =	stream.indirect.scatter.add.f32 [tilespmem:s4], [sflag:$0x2], $0x80, s22, s24, $0xb8;
	[tilespmem:$0x17A00] =	vst v63  }
0x8a: {  	_ =	swait.ge [sflag:s19], $0x4000  }
0x8b: {  	[sflag:s19] =	ssyncset.done $0x0  }
0x8c: {  	[sflag:s19] =	ssyncadd.s32 $0xFFFFC000  }
.LBB2_10:
0x8d: {  	_ =	sfence.sel $0x180000  }
0x8e: {  	[bflag:$0x0] =	sbarrier.arrive $0xFFFF  }
0x8f: {  	_ =	strace $0x90000047  }
0x90: {  	[bflag:$0x2] =	sbarrier.arrive $0xFFFF  }
0x91: {  	p0 =	sne.s32 s5, $0x0;
	s0 =	rddreg [dreg:$0x4]  }
0x92: {  	s0 =	sadd.s32 @!p0 $0x100000, s0  }
0x93: {  	[sflag:s0] =	ssyncadd.tile.s32 @!p0 $0x1;
	_ =	shalt  }
.Lfunc_end2:
_tile_overlayer_lowered:
.L_overlay_start_2:
0x94: {  	(tag) =	ssettag $0x2  }
0x95: {  	s0 =	rddreg [dreg:$0x0];
	s2 =	stileid.u32  }
0x96: {  	s1 =	rddreg [dreg:$0x1];
	p0 =	sne.s32 s2, $0x0  }
0x97: {  	s3 =	rddreg [dreg:$0x2];
	[bflag:$0x3] =	sbarrier.arrive $0xFFFF;
	s2 =	simm.s32 @!p0 $0x1C02  }
0x98: {  	[timem:s3], [sflag:s2] =	dma.local @!p0 [hbm:s0], s1  }
0x99: {  	s0 =	simm.s32 @!p0 $0x2  }
0x9a: {  	_ =	swait.ge @!p0 [sflag:s0], s1  }
0x9b: {  	s1 =	ssub.s32 @!p0 $0x0, s1;
	[sflag:s0] =	ssyncset.done @!p0 $0x0  }
0x9c: {  	[sflag:s0] =	ssyncadd.s32 @!p0 s1  }
0x9d: {  	[bflag:$0x3] =	sbarrier.arrive $0xFFFF  }
0x9e: {  	_ =	shalt  }

</sc_bundles>
